<compile_context>
chip_gen: v7x
topology: tpu7x:2x2x1
jax: 0.10.2.dev20260603
libtpu: 0.0.44.dev20260713+nightly
codegen_flags: <defaults>
</compile_context>

<pallas_src>
import functools

import jax
import jax.numpy as jnp
from jax import lax
from jax.experimental import pallas as pl
from jax.experimental.pallas import tpu as pltpu
from jax.experimental.pallas import tpu_sc as plsc

EMBED_DIM = 64
D_MODEL = 2 * EMBED_DIM
D_INNER = 2 * D_MODEL
HID = 2 * D_MODEL
STEPS = 4
FEW = 5
SUP_PAD = 8

_NC, _NS = 2, 16
_NW = _NC * _NS


@functools.lru_cache(maxsize=None)
def _make_sc_gather(n_q_flat: int, n_s_pad: int):
    n_per_w = n_q_flat // _NW
    mesh = plsc.VectorSubcoreMesh(core_axis_name="c", subcore_axis_name="s")

    n_rows_w = n_per_w // 2

    @functools.partial(
        pl.kernel,
        mesh=mesh,
        compiler_params=pltpu.CompilerParams(use_tc_tiling_on_sc=False,
                                             needs_layout_passes=False),
        out_type=(
            jax.ShapeDtypeStruct((n_q_flat, EMBED_DIM), jnp.float32),
            jax.ShapeDtypeStruct((n_s_pad, EMBED_DIM), jnp.float32),
        ),
        scratch_types=[
            pltpu.VMEM((n_per_w // 2, 2), jnp.int32),
            pltpu.VMEM((n_per_w,), jnp.int32),
            pltpu.VMEM((n_per_w, EMBED_DIM), jnp.float32),
            pltpu.VMEM((FEW, 2), jnp.int32),
            pltpu.VMEM((n_s_pad,), jnp.int32),
            pltpu.VMEM((n_s_pad, EMBED_DIM), jnp.float32),
            pltpu.SemaphoreType.DMA,
            pltpu.SemaphoreType.DMA,
        ],
    )
    def gather_k(query_hbm, support_hbm, table_hbm, outq_hbm, outs_hbm,
                 idx2_v, idx_v, rows_v, idxs2_v, idxs_v, rows_s, sem, sem2):
        wid = lax.axis_index("s") * _NC + lax.axis_index("c")
        base = wid * n_per_w
        pltpu.sync_copy(query_hbm.at[pl.ds(wid * n_rows_w, n_rows_w)], idx2_v)
        lane = lax.iota(jnp.int32, 16)

        def flatten_body(k, carry):
            g = k * 16 + lane
            row = lax.shift_right_logical(g, 1)
            col = lax.bitwise_and(g, 1)
            idx_v[pl.ds(k * 16, 16)] = plsc.load_gather(idx2_v, [row, col])
            return carry

        lax.fori_loop(0, n_per_w // 16, flatten_body, 0)
        cp = pltpu.async_copy(table_hbm.at[idx_v], rows_v, sem)

        @pl.when(wid == 0)
        def _():
            pltpu.sync_copy(support_hbm, idxs2_v)
            g = lane
            row = jnp.minimum(lax.shift_right_logical(g, 1), FEW - 1)
            col = lax.bitwise_and(g, 1)
            vals = plsc.load_gather(idxs2_v, [row, col])
            idxs_v[...] = jnp.where(lane < 2 * FEW, vals, 0)
            pltpu.async_copy(table_hbm.at[idxs_v], rows_s, sem2).wait()
            pltpu.sync_copy(rows_s, outs_hbm)

        cp.wait()
        pltpu.sync_copy(rows_v, outq_hbm.at[pl.ds(base, n_per_w)])

    return gather_k


def _dense_body(q_ref, s_ref, W1T_ref, b1_ref, W2T_ref, b2_ref, g_ref,
                bb_ref, WihT_ref, bih_ref, WhhT_ref, bhh_ref, out_ref):
    f32 = jnp.float32
    s = s_ref[...]
    h1 = jnp.maximum(
        jnp.dot(s, W1T_ref[...], preferred_element_type=f32) + b1_ref[...], 0.0)
    h2 = jnp.dot(h1, W2T_ref[...], preferred_element_type=f32) + b2_ref[...] + s
    mu = jnp.mean(h2, axis=-1, keepdims=True)
    var = jnp.mean((h2 - mu) ** 2, axis=-1, keepdims=True)
    sg = g_ref[...] * (h2 - mu) / (jnp.sqrt(var) + 1e-6) + bb_ref[...]

    col = lax.broadcasted_iota(jnp.int32, (1, SUP_PAD), 1)
    neg = jnp.where(col < FEW, 0.0, -1e30)

    q = q_ref[...]
    bm = q.shape[0]
    xW = jnp.dot(q, WihT_ref[...], preferred_element_type=f32) + bih_ref[...]
    h_r = jnp.zeros((bm, HID), f32)
    c = jnp.zeros((bm, HID), f32)
    h = q
    for step in range(STEPS):
        gates = xW + bhh_ref[...]
        if step > 0:
            gates = gates + jnp.dot(h_r, WhhT_ref[...],
                                    preferred_element_type=f32)
        sig = lambda x: 0.5 * jnp.tanh(0.5 * x) + 0.5
        i_g = sig(gates[:, 0:HID])
        f_g = sig(gates[:, HID:2 * HID])
        g_g = jnp.tanh(gates[:, 2 * HID:3 * HID])
        o_g = sig(gates[:, 3 * HID:4 * HID])
        c = f_g * c + i_g * g_g
        h_new = o_g * jnp.tanh(c)
        h = q + h_new[:, :D_MODEL]
        logits = lax.dot_general(h, sg, (((1,), (1,)), ((), ())),
                                 preferred_element_type=f32) + neg
        attn = jax.nn.softmax(logits, axis=1)
        r = jnp.dot(attn, sg, preferred_element_type=f32)
        h_r = jnp.concatenate([h, r], axis=1)
    out_ref[...] = lax.dot_general(h, sg, (((1,), (1,)), ((), ())),
                                   preferred_element_type=f32)


def _dense_call(q, s8, W1T, b1, W2T, b2, ln_g, ln_b, WihT, bih, WhhT, bhh,
                bm: int, interpret: bool = False):
    B = q.shape[0]
    grid = (B // bm,)
    full = lambda shape: pl.BlockSpec(shape, lambda i: (0, 0))
    return pl.pallas_call(
        _dense_body,
        grid=grid,
        in_specs=[
            pl.BlockSpec((bm, D_MODEL), lambda i: (i, 0)),
            full((SUP_PAD, D_MODEL)),
            full((D_MODEL, D_INNER)),
            full((1, D_INNER)),
            full((D_INNER, D_MODEL)),
            full((1, D_MODEL)),
            full((1, D_MODEL)),
            full((1, D_MODEL)),
            full((D_MODEL, 4 * HID)),
            full((1, 4 * HID)),
            full((HID, 4 * HID)),
            full((1, 4 * HID)),
        ],
        out_specs=pl.BlockSpec((bm, SUP_PAD), lambda i: (i, 0)),
        out_shape=jax.ShapeDtypeStruct((B, SUP_PAD), jnp.float32),
        compiler_params=pltpu.CompilerParams(
            dimension_semantics=("arbitrary",)),
        interpret=interpret,
    )(q, s8, W1T, b1, W2T, b2, ln_g, ln_b, WihT, bih, WhhT, bhh)


def kernel(query, support, emb, W1, b1, W2, b2, ln_g, ln_b, W_ih, W_hh,
           b_ih, b_hh):
    B = query.shape[0]
    n_q = B * 2
    rows_q, rows_s = _make_sc_gather(n_q, 16)(query, support, emb)
    q = rows_q.reshape(B, D_MODEL)
    s = rows_s[:2 * FEW].reshape(FEW, D_MODEL)
    s8 = jnp.concatenate([s, jnp.zeros((SUP_PAD - FEW, D_MODEL),
                                       jnp.float32)], axis=0)
    scores8 = _dense_call(
        q, s8, W1.T, b1[None, :], W2.T, b2[None, :], ln_g[None, :],
        ln_b[None, :], W_ih.T, b_ih[None, :], W_hh.T, b_hh[None, :], bm=2048)
    return scores8[:, :FEW]

# --- scband reference (transcript-rebuilt; emitter-appended) ---
"""Pipeline reference for scband-embed-matcher-75840532512960 (READ-ONLY COPY).

The authoritative reference and input builder live on the scoring server;
editing this copy changes nothing except your own understanding.
"""

import jax, jax.numpy as jnp
import numpy as np

EMBED_DIM = 64
NUM_SYMBOLS = 1000000
D_MODEL = 2 * EMBED_DIM
D_INNER = 2 * D_MODEL
HID = 2 * D_MODEL
PROCESS_STEPS = 4
B = 16384
FEW = 5

def _ln(x, g, b):
    mu = jnp.mean(x, axis=-1, keepdims=True)
    sigma = jnp.std(x, axis=-1, keepdims=True)
    return g * (x - mu) / (sigma + 1e-6) + b

def _support_encoder(x, W1, b1, W2, b2, g, bb):
    residual = x
    out = jax.nn.relu(x @ W1.T + b1)
    out = out @ W2.T + b2
    return _ln(out + residual, g, bb)

def _lstm_cell(x, h, c, Wih, Whh, bih, bhh):
    gates = x @ Wih.T + bih + h @ Whh.T + bhh
    i, f, gg, o = jnp.split(gates, 4, axis=-1)
    i = jax.nn.sigmoid(i)
    f = jax.nn.sigmoid(f)
    o = jax.nn.sigmoid(o)
    gg = jnp.tanh(gg)
    c_new = f * c + i * gg
    h_new = o * jnp.tanh(c_new)
    return h_new, c_new

def _query_encoder(support, query, Wih, Whh, bih, bhh):
    bsz = query.shape[0]
    h_r = jnp.zeros((bsz, HID), dtype=query.dtype)
    c = jnp.zeros((bsz, HID), dtype=query.dtype)
    h = query
    for _ in range(PROCESS_STEPS):
        h_r_, c = _lstm_cell(query, h_r, c, Wih, Whh, bih, bhh)
        h = query + h_r_[:, :D_MODEL]
        attn = jax.nn.softmax(h @ support.T, axis=1)
        r = attn @ support
        h_r = jnp.concatenate((h, r), axis=1)
    return h

def setup_inputs(seed: int = 0):
    key = jax.random.key(seed)
    ks = jax.random.split(key, 8)
    query = jax.random.randint(ks[0], (B, 2), 0, NUM_SYMBOLS, dtype=jnp.int32)
    support = jax.random.randint(ks[1], (FEW, 2), 0, NUM_SYMBOLS, dtype=jnp.int32)
    emb = jax.random.normal(ks[2], (NUM_SYMBOLS + 1, EMBED_DIM), dtype=jnp.float32) * 0.02
    emb = emb.at[NUM_SYMBOLS].set(0.0)
    W1 = jax.random.normal(ks[3], (D_INNER, D_MODEL), dtype=jnp.float32) * (1.0 / np.sqrt(D_MODEL))
    b1 = jnp.zeros((D_INNER,), dtype=jnp.float32)
    W2 = jax.random.normal(ks[4], (D_MODEL, D_INNER), dtype=jnp.float32) * (1.0 / np.sqrt(D_INNER))
    b2 = jnp.zeros((D_MODEL,), dtype=jnp.float32)
    ln_g = jnp.ones((D_MODEL,), dtype=jnp.float32)
    ln_b = jnp.zeros((D_MODEL,), dtype=jnp.float32)
    W_ih = jax.random.normal(ks[5], (4 * HID, D_MODEL), dtype=jnp.float32) * (1.0 / np.sqrt(D_MODEL))
    W_hh = jax.random.normal(ks[6], (4 * HID, HID), dtype=jnp.float32) * (1.0 / np.sqrt(HID))
    b_ih = jnp.zeros((4 * HID,), dtype=jnp.float32)
    b_hh = jnp.zeros((4 * HID,), dtype=jnp.float32)
    return {"query": query, "support": support, "emb": emb, "W1": W1, "b1": b1, "W2": W2, "b2": b2, "ln_g": ln_g, "ln_b": ln_b, "W_ih": W_ih, "W_hh": W_hh, "b_ih": b_ih, "b_hh": b_hh}

def reference(query, support, emb, W1, b1, W2, b2, ln_g, ln_b, W_ih, W_hh, b_ih, b_hh):
    # meta-less branch of EmbedMatcher.forward (dropout is identity in eval mode)
    s = jnp.take(emb, support, axis=0).reshape(-1, D_MODEL)
    q = jnp.take(emb, query, axis=0).reshape(-1, D_MODEL)
    support_g = _support_encoder(s[None, :, :], W1, b1, W2, b2, ln_g, ln_b)[0]
    query_f = _query_encoder(support_g, q, W_ih, W_hh, b_ih, b_hh)
    scores = jnp.squeeze(query_f @ support_g.T)
    return scores

if __name__ == "__main__":
    import jax
    _d = setup_inputs()
    print(jax.jit(kernel)(*tuple(_d.values())))

</pallas_src>

<mosaic_0001>
#map = affine_map<(d0, d1) -> (0, 0)>
module attributes {stable_mosaic.version = 14 : i64} {
  func.func @gather_k(%arg0: i32, %arg1: i32, %arg2: memref<16384x2xi32, #tpu.memory_space<hbm>>, %arg3: memref<5x2xi32, #tpu.memory_space<hbm>>, %arg4: memref<1000001x64xf32, #tpu.memory_space<hbm>>, %arg5: memref<32768x64xf32, #tpu.memory_space<hbm>>, %arg6: memref<16x64xf32, #tpu.memory_space<hbm>>, %arg7: memref<512x2xi32, #tpu.memory_space<vmem>>, %arg8: memref<1024xi32, #tpu.memory_space<vmem>>, %arg9: memref<1024x64xf32, #tpu.memory_space<vmem>>, %arg10: memref<5x2xi32, #tpu.memory_space<vmem>>, %arg11: memref<16xi32, #tpu.memory_space<vmem>>, %arg12: memref<16x64xf32, #tpu.memory_space<vmem>>, %arg13: memref<!tpu.dma_semaphore, #tpu.memory_space<semaphore_mem>>, %arg14: memref<!tpu.dma_semaphore, #tpu.memory_space<semaphore_mem>>) attributes {dimension_semantics = [#tpu.dimension_semantics<core_parallel>, #tpu.dimension_semantics<subcore_parallel>], iteration_bounds = array<i64: 2, 16>, scalar_prefetch = 0 : i64, scratch_operands = 8 : i64, tpu.core_type = #tpu.core_type<sc_vector_subcore>, window_params = [{transform_indices = #map}, {transform_indices = #map}, {transform_indices = #map}, {transform_indices = #map}, {transform_indices = #map}]} {
    %mul3A = arith.constant 2 : i32
    %mul3A_0 = arith.muli %arg1, %mul3A : i32
    %add3A = arith.addi %mul3A_0, %arg0 : i32
    %mul3A_1 = arith.constant 1024 : i32
    %mul3A_2 = arith.muli %add3A, %mul3A_1 : i32
    %mul3A_3 = arith.constant 512 : i32
    %mul3A_4 = arith.muli %add3A, %mul3A_3 : i32
    "tpu.region"() ({
      %run_scoped3A = tpu.sem_alloc : memref<!tpu.dma_semaphore, #tpu.memory_space<semaphore_mem>>
      %dma_start3A_16 = arith.constant 0 : i32
      %dma_start3A_17 = tpu.memref_slice %arg2[%mul3A_4, %dma_start3A_16] : memref<16384x2xi32, #tpu.memory_space<hbm>> -> memref<512x2xi32, #tpu.memory_space<hbm>>
      %dma_start3A_18 = arith.constant 0 : i32
      %dma_start3A_19 = tpu.memref_slice %arg2[%mul3A_4, %dma_start3A_18] : memref<16384x2xi32, #tpu.memory_space<hbm>> -> memref<512x2xi32, #tpu.memory_space<hbm>>
      tpu.enqueue_dma source(%dma_start3A_19 : memref<512x2xi32, #tpu.memory_space<hbm>>) target(%arg7 : memref<512x2xi32, #tpu.memory_space<vmem>>) target_semaphore(%run_scoped3A : memref<!tpu.dma_semaphore, #tpu.memory_space<semaphore_mem>>)
      %dma_wait3A_20 = arith.constant 0 : i32
      %dma_wait3A_21 = tpu.memref_slice %arg2[%mul3A_4, %dma_wait3A_20] : memref<16384x2xi32, #tpu.memory_space<hbm>> -> memref<512x2xi32, #tpu.memory_space<hbm>>
      %dma_wait3A_22 = arith.constant 0 : i32
      %dma_wait3A_23 = tpu.memref_slice %arg2[%mul3A_4, %dma_wait3A_22] : memref<16384x2xi32, #tpu.memory_space<hbm>> -> memref<512x2xi32, #tpu.memory_space<hbm>>
      tpu.wait_dma2 semaphore(%run_scoped3A : memref<!tpu.dma_semaphore, #tpu.memory_space<semaphore_mem>>) src(%dma_wait3A_23 : memref<512x2xi32, #tpu.memory_space<hbm>>) dst(%arg7 : memref<512x2xi32, #tpu.memory_space<vmem>>)
      tpu.yield
    }) : () -> ()
    %iota3A = tpu.iota {dimensions = array<i32: 0>} : vector<16xi32>
    %scan3A = arith.constant 0 : i32
    %scan3A_5 = arith.constant 0 : i32
    %scan3A_6 = arith.constant 64 : i32
    %scan3A_7 = arith.addi %scan3A_5, %scan3A_6 : i32
    %scan3A_8 = arith.constant 1 : i32
    scf.for %scan3A_16 = %scan3A_5 to %scan3A_7 step %scan3A_8  : i32 {
      %mul3A_17 = arith.constant 16 : i32
      %mul3A_18 = arith.muli %scan3A_16, %mul3A_17 : i32
      %add3A_19 = vector.broadcast %mul3A_18 : i32 to vector<16xi32>
      %add3A_20 = arith.addi %add3A_19, %iota3A : vector<16xi32>
      %shift_right_logical3A = arith.constant 1 : i32
      %shift_right_logical3A_21 = vector.broadcast %shift_right_logical3A : i32 to vector<16xi32>
      %shift_right_logical3A_22 = arith.shrui %add3A_20, %shift_right_logical3A_21 : vector<16xi32>
      %and3A = arith.constant 1 : i32
      %and3A_23 = vector.broadcast %and3A : i32 to vector<16xi32>
      %and3A_24 = arith.andi %add3A_20, %and3A_23 : vector<16xi32>
      %gather3A = tpu.vector_load_idx %arg7[%shift_right_logical3A_22, %and3A_24] : memref<512x2xi32, #tpu.memory_space<vmem>>[vector<16xi32>, vector<16xi32>], vector<16xi32>,
      %mul3A_25 = arith.constant 16 : i32
      %mul3A_26 = arith.muli %scan3A_16, %mul3A_25 : i32
      %swap3A = arith.index_cast %mul3A_26 : i32 to index
      %swap3A_27 = tpu.vector_load %arg8[%swap3A] {strides = array<i32>} : memref<1024xi32, #tpu.memory_space<vmem>>, vector<16xi32>,
      tpu.vector_store %arg8[%swap3A], %gather3A {strides = array<i32>} : memref<1024xi32, #tpu.memory_space<vmem>>, vector<16xi32>,
    }
    %scan3A_9 = arith.constant 64 : i32
    %dma_start3A = arith.constant 0 : i32
    %dma_start3A_10 = arith.constant 0 : i32
    %dma_start3A_11 = tpu.memref_slice %arg4[%dma_start3A, %dma_start3A_10] : memref<1000001x64xf32, #tpu.memory_space<hbm>> -> memref<1000001x64xf32, #tpu.memory_space<hbm>>
    tpu.enqueue_indirect_dma source(%dma_start3A_11 : memref<1000001x64xf32, #tpu.memory_space<hbm>>) target(%arg9 : memref<1024x64xf32, #tpu.memory_space<vmem>>) offsets(%arg8 : memref<1024xi32, #tpu.memory_space<vmem>>) semaphore(%arg13 : memref<!tpu.dma_semaphore, #tpu.memory_space<semaphore_mem>>)
    %eq3A = arith.constant 0 : i32
    %eq3A_12 = arith.cmpi eq, %add3A, %eq3A : i32
    %convert_element_type3A = arith.extui %eq3A_12 : i1 to i32
    %cond3A = arith.constant 0 : i32
    %cond3A_13 = arith.cmpi ne, %convert_element_type3A, %cond3A : i32
    scf.if %cond3A_13 {
      "tpu.region"() ({
        %run_scoped3A = tpu.sem_alloc : memref<!tpu.dma_semaphore, #tpu.memory_space<semaphore_mem>>
        tpu.enqueue_dma source(%arg3 : memref<5x2xi32, #tpu.memory_space<hbm>>) target(%arg10 : memref<5x2xi32, #tpu.memory_space<vmem>>) target_semaphore(%run_scoped3A : memref<!tpu.dma_semaphore, #tpu.memory_space<semaphore_mem>>)
        tpu.wait_dma2 semaphore(%run_scoped3A : memref<!tpu.dma_semaphore, #tpu.memory_space<semaphore_mem>>) src(%arg3 : memref<5x2xi32, #tpu.memory_space<hbm>>) dst(%arg10 : memref<5x2xi32, #tpu.memory_space<vmem>>)
        tpu.yield
      }) : () -> ()
      %shift_right_logical3A = arith.constant 1 : i32
      %shift_right_logical3A_16 = vector.broadcast %shift_right_logical3A : i32 to vector<16xi32>
      %shift_right_logical3A_17 = arith.shrui %iota3A, %shift_right_logical3A_16 : vector<16xi32>
      %min3A = arith.constant 4 : i32
      %min3A_18 = vector.broadcast %min3A : i32 to vector<16xi32>
      %min3A_19 = arith.minsi %shift_right_logical3A_17, %min3A_18 : vector<16xi32>
      %and3A = arith.constant 1 : i32
      %and3A_20 = vector.broadcast %and3A : i32 to vector<16xi32>
      %and3A_21 = arith.andi %iota3A, %and3A_20 : vector<16xi32>
      %gather3A = tpu.vector_load_idx %arg10[%min3A_19, %and3A_21] : memref<5x2xi32, #tpu.memory_space<vmem>>[vector<16xi32>, vector<16xi32>], vector<16xi32>,
      %lt3A = arith.constant 10 : i32
      %lt3A_22 = vector.broadcast %lt3A : i32 to vector<16xi32>
      %lt3A_23 = arith.cmpi slt, %iota3A, %lt3A_22 : vector<16xi32>
      %jit3A = arith.constant 0 : i32
      %broadcast_in_dim3A = vector.broadcast %jit3A : i32 to vector<16xi32>
      %select_n3A = arith.select %lt3A_23, %gather3A, %broadcast_in_dim3A : vector<16xi1>, vector<16xi32>
      %swap3A = arith.constant 0 : index
      %swap3A_24 = tpu.vector_load %arg11[%swap3A] {strides = array<i32>} : memref<16xi32, #tpu.memory_space<vmem>>, vector<16xi32>,
      tpu.vector_store %arg11[%swap3A], %select_n3A {strides = array<i32>} : memref<16xi32, #tpu.memory_space<vmem>>, vector<16xi32>,
      %dma_start3A_25 = arith.constant 0 : i32
      %dma_start3A_26 = arith.constant 0 : i32
      %dma_start3A_27 = tpu.memref_slice %arg4[%dma_start3A_25, %dma_start3A_26] : memref<1000001x64xf32, #tpu.memory_space<hbm>> -> memref<1000001x64xf32, #tpu.memory_space<hbm>>
      tpu.enqueue_indirect_dma source(%dma_start3A_27 : memref<1000001x64xf32, #tpu.memory_space<hbm>>) target(%arg12 : memref<16x64xf32, #tpu.memory_space<vmem>>) offsets(%arg11 : memref<16xi32, #tpu.memory_space<vmem>>) semaphore(%arg14 : memref<!tpu.dma_semaphore, #tpu.memory_space<semaphore_mem>>)
      %dma_wait3A_28 = arith.constant 0 : i32
      %dma_wait3A_29 = arith.constant 0 : i32
      %dma_wait3A_30 = tpu.memref_slice %arg4[%dma_wait3A_28, %dma_wait3A_29] : memref<1000001x64xf32, #tpu.memory_space<hbm>> -> memref<1000001x64xf32, #tpu.memory_space<hbm>>
      tpu.wait_indirect_dma semaphore(%arg14 : memref<!tpu.dma_semaphore, #tpu.memory_space<semaphore_mem>>) src(%dma_wait3A_30 : memref<1000001x64xf32, #tpu.memory_space<hbm>>) dst(%arg12 : memref<16x64xf32, #tpu.memory_space<vmem>>)
      "tpu.region"() ({
        %run_scoped3A = tpu.sem_alloc : memref<!tpu.dma_semaphore, #tpu.memory_space<semaphore_mem>>
        tpu.enqueue_dma source(%arg12 : memref<16x64xf32, #tpu.memory_space<vmem>>) target(%arg6 : memref<16x64xf32, #tpu.memory_space<hbm>>) target_semaphore(%run_scoped3A : memref<!tpu.dma_semaphore, #tpu.memory_space<semaphore_mem>>)
        tpu.wait_dma2 semaphore(%run_scoped3A : memref<!tpu.dma_semaphore, #tpu.memory_space<semaphore_mem>>) src(%arg12 : memref<16x64xf32, #tpu.memory_space<vmem>>) dst(%arg6 : memref<16x64xf32, #tpu.memory_space<hbm>>)
        tpu.yield
      }) : () -> ()
    } else {
    }
    %dma_wait3A = arith.constant 0 : i32
    %dma_wait3A_14 = arith.constant 0 : i32
    %dma_wait3A_15 = tpu.memref_slice %arg4[%dma_wait3A, %dma_wait3A_14] : memref<1000001x64xf32, #tpu.memory_space<hbm>> -> memref<1000001x64xf32, #tpu.memory_space<hbm>>
    tpu.wait_indirect_dma semaphore(%arg13 : memref<!tpu.dma_semaphore, #tpu.memory_space<semaphore_mem>>) src(%dma_wait3A_15 : memref<1000001x64xf32, #tpu.memory_space<hbm>>) dst(%arg9 : memref<1024x64xf32, #tpu.memory_space<vmem>>)
    "tpu.region"() ({
      %run_scoped3A = tpu.sem_alloc : memref<!tpu.dma_semaphore, #tpu.memory_space<semaphore_mem>>
      %dma_start3A_16 = arith.constant 0 : i32
      %dma_start3A_17 = tpu.memref_slice %arg5[%mul3A_2, %dma_start3A_16] : memref<32768x64xf32, #tpu.memory_space<hbm>> -> memref<1024x64xf32, #tpu.memory_space<hbm>>
      %dma_start3A_18 = arith.constant 0 : i32
      %dma_start3A_19 = tpu.memref_slice %arg5[%mul3A_2, %dma_start3A_18] : memref<32768x64xf32, #tpu.memory_space<hbm>> -> memref<1024x64xf32, #tpu.memory_space<hbm>>
      tpu.enqueue_dma source(%arg9 : memref<1024x64xf32, #tpu.memory_space<vmem>>) target(%dma_start3A_19 : memref<1024x64xf32, #tpu.memory_space<hbm>>) target_semaphore(%run_scoped3A : memref<!tpu.dma_semaphore, #tpu.memory_space<semaphore_mem>>)
      %dma_wait3A_20 = arith.constant 0 : i32
      %dma_wait3A_21 = tpu.memref_slice %arg5[%mul3A_2, %dma_wait3A_20] : memref<32768x64xf32, #tpu.memory_space<hbm>> -> memref<1024x64xf32, #tpu.memory_space<hbm>>
      %dma_wait3A_22 = arith.constant 0 : i32
      %dma_wait3A_23 = tpu.memref_slice %arg5[%mul3A_2, %dma_wait3A_22] : memref<32768x64xf32, #tpu.memory_space<hbm>> -> memref<1024x64xf32, #tpu.memory_space<hbm>>
      tpu.wait_dma2 semaphore(%run_scoped3A : memref<!tpu.dma_semaphore, #tpu.memory_space<semaphore_mem>>) src(%arg9 : memref<1024x64xf32, #tpu.memory_space<vmem>>) dst(%dma_wait3A_23 : memref<1024x64xf32, #tpu.memory_space<hbm>>)
      tpu.yield
    }) : () -> ()
    return
  }
}

module attributes {stable_mosaic.version = 14 : i64} {
  func.func @_dense_body(%arg0: i32, %arg1: memref<2048x128xf32, #tpu.memory_space<vmem>>, %arg2: memref<8x128xf32, #tpu.memory_space<vmem>>, %arg3: memref<128x256xf32, #tpu.memory_space<vmem>>, %arg4: memref<1x256xf32, #tpu.memory_space<vmem>>, %arg5: memref<256x128xf32, #tpu.memory_space<vmem>>, %arg6: memref<1x128xf32, #tpu.memory_space<vmem>>, %arg7: memref<1x128xf32, #tpu.memory_space<vmem>>, %arg8: memref<1x128xf32, #tpu.memory_space<vmem>>, %arg9: memref<128x1024xf32, #tpu.memory_space<vmem>>, %arg10: memref<1x1024xf32, #tpu.memory_space<vmem>>, %arg11: memref<256x1024xf32, #tpu.memory_space<vmem>>, %arg12: memref<1x1024xf32, #tpu.memory_space<vmem>>, %arg13: memref<2048x8xf32, #tpu.memory_space<vmem>>) attributes {dimension_semantics = [#tpu.dimension_semantics<arbitrary>], iteration_bounds = array<i64: 8>, scalar_prefetch = 0 : i64, scratch_operands = 0 : i64, tpu.core_type = #tpu.core_type<tc>, window_params = [{transform_indices = @transform_0, window_bounds = array<i64: 2048, 128>}, {pipeline_mode = #tpu.pipeline_mode<synchronous>, transform_indices = @transform_1, window_bounds = array<i64: 8, 128>}, {pipeline_mode = #tpu.pipeline_mode<synchronous>, transform_indices = @transform_2, window_bounds = array<i64: 128, 256>}, {pipeline_mode = #tpu.pipeline_mode<synchronous>, transform_indices = @transform_3, window_bounds = array<i64: 1, 256>}, {pipeline_mode = #tpu.pipeline_mode<synchronous>, transform_indices = @transform_4, window_bounds = array<i64: 256, 128>}, {pipeline_mode = #tpu.pipeline_mode<synchronous>, transform_indices = @transform_5, window_bounds = array<i64: 1, 128>}, {pipeline_mode = #tpu.pipeline_mode<synchronous>, transform_indices = @transform_6, window_bounds = array<i64: 1, 128>}, {pipeline_mode = #tpu.pipeline_mode<synchronous>, transform_indices = @transform_7, window_bounds = array<i64: 1, 128>}, {pipeline_mode = #tpu.pipeline_mode<synchronous>, transform_indices = @transform_8, window_bounds = array<i64: 128, 1024>}, {pipeline_mode = #tpu.pipeline_mode<synchronous>, transform_indices = @transform_9, window_bounds = array<i64: 1, 1024>}, {pipeline_mode = #tpu.pipeline_mode<synchronous>, transform_indices = @transform_10, window_bounds = array<i64: 256, 1024>}, {pipeline_mode = #tpu.pipeline_mode<synchronous>, transform_indices = @transform_11, window_bounds = array<i64: 1, 1024>}, {transform_indices = @transform_12, window_bounds = array<i64: 2048, 8>}]} {
    %get3A = arith.constant 0 : index
    %get3A_0 = arith.constant 0 : index
    %get3A_1 = vector.load %arg2[%get3A, %get3A_0] : memref<8x128xf32, #tpu.memory_space<vmem>>, vector<8x128xf32>
    %get3A_2 = arith.constant 0 : index
    %get3A_3 = arith.constant 0 : index
    %get3A_4 = vector.load %arg3[%get3A_2, %get3A_3] : memref<128x256xf32, #tpu.memory_space<vmem>>, vector<128x256xf32>
    %dot_general3A = arith.constant dense<0.000000e+00> : vector<8x256xf32>
    %dot_general3A_5 = tpu.matmul %get3A_1, %get3A_4, %dot_general3A {dimension_numbers = #tpu.dot_dimension_numbers<[1], [0], [0], [1], [0, 0, 1, 1], [], []>, transpose_lhs_hint = false} : vector<8x128xf32>, vector<128x256xf32>, vector<8x256xf32> -> vector<8x256xf32>
    %get3A_6 = arith.constant 0 : index
    %get3A_7 = arith.constant 0 : index
    %get3A_8 = vector.load %arg4[%get3A_6, %get3A_7] : memref<1x256xf32, #tpu.memory_space<vmem>>, vector<1x256xf32>
    %add3A = vector.broadcast %get3A_8 : vector<1x256xf32> to vector<8x256xf32>
    %add3A_9 = arith.addf %dot_general3A_5, %add3A : vector<8x256xf32>
    %max3A = arith.constant 0.000000e+00 : f32
    %max3A_10 = vector.broadcast %max3A : f32 to vector<8x256xf32>
    %max3A_11 = arith.maximumf %add3A_9, %max3A_10 : vector<8x256xf32>
    %get3A_12 = arith.constant 0 : index
    %get3A_13 = arith.constant 0 : index
    %get3A_14 = vector.load %arg5[%get3A_12, %get3A_13] : memref<256x128xf32, #tpu.memory_space<vmem>>, vector<256x128xf32>
    %dot_general3A_15 = arith.constant dense<0.000000e+00> : vector<8x128xf32>
    %dot_general3A_16 = tpu.matmul %max3A_11, %get3A_14, %dot_general3A_15 {dimension_numbers = #tpu.dot_dimension_numbers<[1], [0], [0], [1], [0, 0, 1, 1], [], []>, transpose_lhs_hint = false} : vector<8x256xf32>, vector<256x128xf32>, vector<8x128xf32> -> vector<8x128xf32>
    %get3A_17 = arith.constant 0 : index
    %get3A_18 = arith.constant 0 : index
    %get3A_19 = vector.load %arg6[%get3A_17, %get3A_18] : memref<1x128xf32, #tpu.memory_space<vmem>>, vector<1x128xf32>
    %add3A_20 = vector.broadcast %get3A_19 : vector<1x128xf32> to vector<8x128xf32>
    %add3A_21 = arith.addf %dot_general3A_16, %add3A_20 : vector<8x128xf32>
    %add3A_22 = arith.addf %add3A_21, %get3A_1 : vector<8x128xf32>
    %reduce_sum3A = arith.constant dense<0.000000e+00> : vector<8xf32>
    %reduce_sum3A_23 = vector.multi_reduction <add>, %add3A_22, %reduce_sum3A [1] : vector<8x128xf32> to vector<8xf32>
    %broadcast_in_dim3A = vector.shape_cast %reduce_sum3A_23 : vector<8xf32> to vector<8x1xf32>
    %div3A = arith.constant 1.280000e+02 : f32
    %div3A_24 = vector.broadcast %div3A : f32 to vector<8x1xf32>
    %div3A_25 = arith.divf %broadcast_in_dim3A, %div3A_24 : vector<8x1xf32>
    %sub3A = vector.broadcast %div3A_25 : vector<8x1xf32> to vector<8x128xf32>
    %sub3A_26 = arith.subf %add3A_22, %sub3A : vector<8x128xf32>
    %integer_pow3A = arith.mulf %sub3A_26, %sub3A_26 : vector<8x128xf32>
    %reduce_sum3A_27 = arith.constant dense<0.000000e+00> : vector<8xf32>
    %reduce_sum3A_28 = vector.multi_reduction <add>, %integer_pow3A, %reduce_sum3A_27 [1] : vector<8x128xf32> to vector<8xf32>
    %broadcast_in_dim3A_29 = vector.shape_cast %reduce_sum3A_28 : vector<8xf32> to vector<8x1xf32>
    %div3A_30 = arith.constant 1.280000e+02 : f32
    %div3A_31 = vector.broadcast %div3A_30 : f32 to vector<8x1xf32>
    %div3A_32 = arith.divf %broadcast_in_dim3A_29, %div3A_31 : vector<8x1xf32>
    %get3A_33 = arith.constant 0 : index
    %get3A_34 = arith.constant 0 : index
    %get3A_35 = vector.load %arg7[%get3A_33, %get3A_34] : memref<1x128xf32, #tpu.memory_space<vmem>>, vector<1x128xf32>
    %sub3A_36 = vector.broadcast %div3A_25 : vector<8x1xf32> to vector<8x128xf32>
    %sub3A_37 = arith.subf %add3A_22, %sub3A_36 : vector<8x128xf32>
    %mul3A = vector.broadcast %get3A_35 : vector<1x128xf32> to vector<8x128xf32>
    %mul3A_38 = arith.mulf %mul3A, %sub3A_37 : vector<8x128xf32>
    %sqrt3A = math.sqrt %div3A_32 : vector<8x1xf32>
    %add3A_39 = arith.constant 9.99999997E-7 : f32
    %add3A_40 = vector.broadcast %add3A_39 : f32 to vector<8x1xf32>
    %add3A_41 = arith.addf %sqrt3A, %add3A_40 : vector<8x1xf32>
    %div3A_42 = vector.broadcast %add3A_41 : vector<8x1xf32> to vector<8x128xf32>
    %div3A_43 = arith.divf %mul3A_38, %div3A_42 : vector<8x128xf32>
    %get3A_44 = arith.constant 0 : index
    %get3A_45 = arith.constant 0 : index
    %get3A_46 = vector.load %arg8[%get3A_44, %get3A_45] : memref<1x128xf32, #tpu.memory_space<vmem>>, vector<1x128xf32>
    %add3A_47 = vector.broadcast %get3A_46 : vector<1x128xf32> to vector<8x128xf32>
    %add3A_48 = arith.addf %div3A_43, %add3A_47 : vector<8x128xf32>
    %iota3A = tpu.iota {dimensions = array<i32: 1>} : vector<1x8xi32>
    %lt3A = arith.constant 5 : i32
    %lt3A_49 = vector.broadcast %lt3A : i32 to vector<1x8xi32>
    %lt3A_50 = arith.cmpi slt, %iota3A, %lt3A_49 : vector<1x8xi32>
    %jit3A = arith.constant 0.000000e+00 : f32
    %jit3A_51 = arith.constant -1.000000e+30 : f32
    %broadcast_in_dim3A_52 = vector.broadcast %jit3A : f32 to vector<1x8xf32>
    %broadcast_in_dim3A_53 = vector.broadcast %jit3A_51 : f32 to vector<1x8xf32>
    %select_n3A = arith.select %lt3A_50, %broadcast_in_dim3A_52, %broadcast_in_dim3A_53 : vector<1x8xi1>, vector<1x8xf32>
    %get3A_54 = arith.constant 0 : index
    %get3A_55 = arith.constant 0 : index
    %get3A_56 = vector.load %arg1[%get3A_54, %get3A_55] : memref<2048x128xf32, #tpu.memory_space<vmem>>, vector<2048x128xf32>
    %get3A_57 = arith.constant 0 : index
    %get3A_58 = arith.constant 0 : index
    %get3A_59 = vector.load %arg9[%get3A_57, %get3A_58] : memref<128x1024xf32, #tpu.memory_space<vmem>>, vector<128x1024xf32>
    %dot_general3A_60 = arith.constant dense<0.000000e+00> : vector<2048x1024xf32>
    %dot_general3A_61 = tpu.matmul %get3A_56, %get3A_59, %dot_general3A_60 {dimension_numbers = #tpu.dot_dimension_numbers<[1], [0], [0], [1], [0, 0, 1, 1], [], []>, transpose_lhs_hint = false} : vector<2048x128xf32>, vector<128x1024xf32>, vector<2048x1024xf32> -> vector<2048x1024xf32>
    %get3A_62 = arith.constant 0 : index
    %get3A_63 = arith.constant 0 : index
    %get3A_64 = vector.load %arg10[%get3A_62, %get3A_63] : memref<1x1024xf32, #tpu.memory_space<vmem>>, vector<1x1024xf32>
    %add3A_65 = vector.broadcast %get3A_64 : vector<1x1024xf32> to vector<2048x1024xf32>
    %add3A_66 = arith.addf %dot_general3A_61, %add3A_65 : vector<2048x1024xf32>
    %broadcast_in_dim3A_67 = arith.constant 0.000000e+00 : f32
    %broadcast_in_dim3A_68 = vector.broadcast %broadcast_in_dim3A_67 : f32 to vector<2048x256xf32>
    %get3A_69 = arith.constant 0 : index
    %get3A_70 = arith.constant 0 : index
    %get3A_71 = vector.load %arg12[%get3A_69, %get3A_70] : memref<1x1024xf32, #tpu.memory_space<vmem>>, vector<1x1024xf32>
    %add3A_72 = vector.broadcast %get3A_71 : vector<1x1024xf32> to vector<2048x1024xf32>
    %add3A_73 = arith.addf %add3A_66, %add3A_72 : vector<2048x1024xf32>
    %slice3A = vector.extract_strided_slice %add3A_73 {offsets = [0, 0], sizes = [2048, 256], strides = [1, 1]} : vector<2048x1024xf32> to vector<2048x256xf32>
    %mul3A_74 = arith.constant 5.000000e-01 : f32
    %mul3A_75 = vector.broadcast %mul3A_74 : f32 to vector<2048x256xf32>
    %mul3A_76 = arith.mulf %mul3A_75, %slice3A : vector<2048x256xf32>
    %tanh3A = math.tanh %mul3A_76 : vector<2048x256xf32>
    %mul3A_77 = arith.constant 5.000000e-01 : f32
    %mul3A_78 = vector.broadcast %mul3A_77 : f32 to vector<2048x256xf32>
    %mul3A_79 = arith.mulf %mul3A_78, %tanh3A : vector<2048x256xf32>
    %add3A_80 = arith.constant 5.000000e-01 : f32
    %add3A_81 = vector.broadcast %add3A_80 : f32 to vector<2048x256xf32>
    %add3A_82 = arith.addf %mul3A_79, %add3A_81 : vector<2048x256xf32>
    %slice3A_83 = vector.extract_strided_slice %add3A_73 {offsets = [0, 256], sizes = [2048, 256], strides = [1, 1]} : vector<2048x1024xf32> to vector<2048x256xf32>
    %mul3A_84 = arith.constant 5.000000e-01 : f32
    %mul3A_85 = vector.broadcast %mul3A_84 : f32 to vector<2048x256xf32>
    %mul3A_86 = arith.mulf %mul3A_85, %slice3A_83 : vector<2048x256xf32>
    %tanh3A_87 = math.tanh %mul3A_86 : vector<2048x256xf32>
    %mul3A_88 = arith.constant 5.000000e-01 : f32
    %mul3A_89 = vector.broadcast %mul3A_88 : f32 to vector<2048x256xf32>
    %mul3A_90 = arith.mulf %mul3A_89, %tanh3A_87 : vector<2048x256xf32>
    %add3A_91 = arith.constant 5.000000e-01 : f32
    %add3A_92 = vector.broadcast %add3A_91 : f32 to vector<2048x256xf32>
    %add3A_93 = arith.addf %mul3A_90, %add3A_92 : vector<2048x256xf32>
    %slice3A_94 = vector.extract_strided_slice %add3A_73 {offsets = [0, 512], sizes = [2048, 256], strides = [1, 1]} : vector<2048x1024xf32> to vector<2048x256xf32>
    %tanh3A_95 = math.tanh %slice3A_94 : vector<2048x256xf32>
    %slice3A_96 = vector.extract_strided_slice %add3A_73 {offsets = [0, 768], sizes = [2048, 256], strides = [1, 1]} : vector<2048x1024xf32> to vector<2048x256xf32>
    %mul3A_97 = arith.constant 5.000000e-01 : f32
    %mul3A_98 = vector.broadcast %mul3A_97 : f32 to vector<2048x256xf32>
    %mul3A_99 = arith.mulf %mul3A_98, %slice3A_96 : vector<2048x256xf32>
    %tanh3A_100 = math.tanh %mul3A_99 : vector<2048x256xf32>
    %mul3A_101 = arith.constant 5.000000e-01 : f32
    %mul3A_102 = vector.broadcast %mul3A_101 : f32 to vector<2048x256xf32>
    %mul3A_103 = arith.mulf %mul3A_102, %tanh3A_100 : vector<2048x256xf32>
    %add3A_104 = arith.constant 5.000000e-01 : f32
    %add3A_105 = vector.broadcast %add3A_104 : f32 to vector<2048x256xf32>
    %add3A_106 = arith.addf %mul3A_103, %add3A_105 : vector<2048x256xf32>
    %mul3A_107 = arith.mulf %add3A_93, %broadcast_in_dim3A_68 : vector<2048x256xf32>
    %mul3A_108 = arith.mulf %add3A_82, %tanh3A_95 : vector<2048x256xf32>
    %add3A_109 = arith.addf %mul3A_107, %mul3A_108 : vector<2048x256xf32>
    %tanh3A_110 = math.tanh %add3A_109 : vector<2048x256xf32>
    %mul3A_111 = arith.mulf %add3A_106, %tanh3A_110 : vector<2048x256xf32>
    %slice3A_112 = vector.extract_strided_slice %mul3A_111 {offsets = [0, 0], sizes = [2048, 128], strides = [1, 1]} : vector<2048x256xf32> to vector<2048x128xf32>
    %add3A_113 = arith.addf %get3A_56, %slice3A_112 : vector<2048x128xf32>
    %dot_general3A_114 = arith.constant dense<0.000000e+00> : vector<2048x8xf32>
    %dot_general3A_115 = tpu.matmul %add3A_113, %add3A_48, %dot_general3A_114 {dimension_numbers = #tpu.dot_dimension_numbers<[1], [1], [0], [0], [0, 0, 1, 0], [], []>, transpose_lhs_hint = false} : vector<2048x128xf32>, vector<8x128xf32>, vector<2048x8xf32> -> vector<2048x8xf32>
    %add3A_116 = vector.broadcast %select_n3A : vector<1x8xf32> to vector<2048x8xf32>
    %add3A_117 = arith.addf %dot_general3A_115, %add3A_116 : vector<2048x8xf32>
    %reduce_max3A = arith.constant dense<0xFF800000> : vector<2048xf32>
    %reduce_max3A_118 = vector.multi_reduction <maximumf>, %add3A_117, %reduce_max3A [1] : vector<2048x8xf32> to vector<2048xf32>
    %max3A_119 = arith.constant 0xFF800000 : f32
    %max3A_120 = vector.broadcast %max3A_119 : f32 to vector<2048xf32>
    %max3A_121 = arith.maximumf %max3A_120, %reduce_max3A_118 : vector<2048xf32>
    %broadcast_in_dim3A_122 = vector.shape_cast %max3A_121 : vector<2048xf32> to vector<2048x1xf32>
    %sub3A_123 = vector.broadcast %broadcast_in_dim3A_122 : vector<2048x1xf32> to vector<2048x8xf32>
    %sub3A_124 = arith.subf %add3A_117, %sub3A_123 : vector<2048x8xf32>
    %exp3A = math.exp %sub3A_124 : vector<2048x8xf32>
    %reduce_sum3A_125 = arith.constant dense<0.000000e+00> : vector<2048xf32>
    %reduce_sum3A_126 = vector.multi_reduction <add>, %exp3A, %reduce_sum3A_125 [1] : vector<2048x8xf32> to vector<2048xf32>
    %broadcast_in_dim3A_127 = vector.shape_cast %reduce_sum3A_126 : vector<2048xf32> to vector<2048x1xf32>
    %div3A_128 = vector.broadcast %broadcast_in_dim3A_127 : vector<2048x1xf32> to vector<2048x8xf32>
    %div3A_129 = arith.divf %exp3A, %div3A_128 : vector<2048x8xf32>
    %dot_general3A_130 = arith.constant dense<0.000000e+00> : vector<2048x128xf32>
    %dot_general3A_131 = tpu.matmul %div3A_129, %add3A_48, %dot_general3A_130 {dimension_numbers = #tpu.dot_dimension_numbers<[1], [0], [0], [1], [0, 0, 1, 1], [], []>, transpose_lhs_hint = false} : vector<2048x8xf32>, vector<8x128xf32>, vector<2048x128xf32> -> vector<2048x128xf32>
    %concatenate3A = tpu.concatenate %add3A_113, %dot_general3A_131 in 1 : vector<2048x128xf32>, vector<2048x128xf32> -> vector<2048x256xf32>
    %get3A_132 = arith.constant 0 : index
    %get3A_133 = arith.constant 0 : index
    %get3A_134 = vector.load %arg12[%get3A_132, %get3A_133] : memref<1x1024xf32, #tpu.memory_space<vmem>>, vector<1x1024xf32>
    %add3A_135 = vector.broadcast %get3A_134 : vector<1x1024xf32> to vector<2048x1024xf32>
    %add3A_136 = arith.addf %add3A_66, %add3A_135 : vector<2048x1024xf32>
    %get3A_137 = arith.constant 0 : index
    %get3A_138 = arith.constant 0 : index
    %get3A_139 = vector.load %arg11[%get3A_137, %get3A_138] : memref<256x1024xf32, #tpu.memory_space<vmem>>, vector<256x1024xf32>
    %dot_general3A_140 = arith.constant dense<0.000000e+00> : vector<2048x1024xf32>
    %dot_general3A_141 = tpu.matmul %concatenate3A, %get3A_139, %dot_general3A_140 {dimension_numbers = #tpu.dot_dimension_numbers<[1], [0], [0], [1], [0, 0, 1, 1], [], []>, transpose_lhs_hint = false} : vector<2048x256xf32>, vector<256x1024xf32>, vector<2048x1024xf32> -> vector<2048x1024xf32>
    %add3A_142 = arith.addf %add3A_136, %dot_general3A_141 : vector<2048x1024xf32>
    %slice3A_143 = vector.extract_strided_slice %add3A_142 {offsets = [0, 0], sizes = [2048, 256], strides = [1, 1]} : vector<2048x1024xf32> to vector<2048x256xf32>
    %mul3A_144 = arith.constant 5.000000e-01 : f32
    %mul3A_145 = vector.broadcast %mul3A_144 : f32 to vector<2048x256xf32>
    %mul3A_146 = arith.mulf %mul3A_145, %slice3A_143 : vector<2048x256xf32>
    %tanh3A_147 = math.tanh %mul3A_146 : vector<2048x256xf32>
    %mul3A_148 = arith.constant 5.000000e-01 : f32
    %mul3A_149 = vector.broadcast %mul3A_148 : f32 to vector<2048x256xf32>
    %mul3A_150 = arith.mulf %mul3A_149, %tanh3A_147 : vector<2048x256xf32>
    %add3A_151 = arith.constant 5.000000e-01 : f32
    %add3A_152 = vector.broadcast %add3A_151 : f32 to vector<2048x256xf32>
    %add3A_153 = arith.addf %mul3A_150, %add3A_152 : vector<2048x256xf32>
    %slice3A_154 = vector.extract_strided_slice %add3A_142 {offsets = [0, 256], sizes = [2048, 256], strides = [1, 1]} : vector<2048x1024xf32> to vector<2048x256xf32>
    %mul3A_155 = arith.constant 5.000000e-01 : f32
    %mul3A_156 = vector.broadcast %mul3A_155 : f32 to vector<2048x256xf32>
    %mul3A_157 = arith.mulf %mul3A_156, %slice3A_154 : vector<2048x256xf32>
    %tanh3A_158 = math.tanh %mul3A_157 : vector<2048x256xf32>
    %mul3A_159 = arith.constant 5.000000e-01 : f32
    %mul3A_160 = vector.broadcast %mul3A_159 : f32 to vector<2048x256xf32>
    %mul3A_161 = arith.mulf %mul3A_160, %tanh3A_158 : vector<2048x256xf32>
    %add3A_162 = arith.constant 5.000000e-01 : f32
    %add3A_163 = vector.broadcast %add3A_162 : f32 to vector<2048x256xf32>
    %add3A_164 = arith.addf %mul3A_161, %add3A_163 : vector<2048x256xf32>
    %slice3A_165 = vector.extract_strided_slice %add3A_142 {offsets = [0, 512], sizes = [2048, 256], strides = [1, 1]} : vector<2048x1024xf32> to vector<2048x256xf32>
    %tanh3A_166 = math.tanh %slice3A_165 : vector<2048x256xf32>
    %slice3A_167 = vector.extract_strided_slice %add3A_142 {offsets = [0, 768], sizes = [2048, 256], strides = [1, 1]} : vector<2048x1024xf32> to vector<2048x256xf32>
    %mul3A_168 = arith.constant 5.000000e-01 : f32
    %mul3A_169 = vector.broadcast %mul3A_168 : f32 to vector<2048x256xf32>
    %mul3A_170 = arith.mulf %mul3A_169, %slice3A_167 : vector<2048x256xf32>
    %tanh3A_171 = math.tanh %mul3A_170 : vector<2048x256xf32>
    %mul3A_172 = arith.constant 5.000000e-01 : f32
    %mul3A_173 = vector.broadcast %mul3A_172 : f32 to vector<2048x256xf32>
    %mul3A_174 = arith.mulf %mul3A_173, %tanh3A_171 : vector<2048x256xf32>
    %add3A_175 = arith.constant 5.000000e-01 : f32
    %add3A_176 = vector.broadcast %add3A_175 : f32 to vector<2048x256xf32>
    %add3A_177 = arith.addf %mul3A_174, %add3A_176 : vector<2048x256xf32>
    %mul3A_178 = arith.mulf %add3A_164, %add3A_109 : vector<2048x256xf32>
    %mul3A_179 = arith.mulf %add3A_153, %tanh3A_166 : vector<2048x256xf32>
    %add3A_180 = arith.addf %mul3A_178, %mul3A_179 : vector<2048x256xf32>
    %tanh3A_181 = math.tanh %add3A_180 : vector<2048x256xf32>
    %mul3A_182 = arith.mulf %add3A_177, %tanh3A_181 : vector<2048x256xf32>
    %slice3A_183 = vector.extract_strided_slice %mul3A_182 {offsets = [0, 0], sizes = [2048, 128], strides = [1, 1]} : vector<2048x256xf32> to vector<2048x128xf32>
    %add3A_184 = arith.addf %get3A_56, %slice3A_183 : vector<2048x128xf32>
    %dot_general3A_185 = arith.constant dense<0.000000e+00> : vector<2048x8xf32>
    %dot_general3A_186 = tpu.matmul %add3A_184, %add3A_48, %dot_general3A_185 {dimension_numbers = #tpu.dot_dimension_numbers<[1], [1], [0], [0], [0, 0, 1, 0], [], []>, transpose_lhs_hint = false} : vector<2048x128xf32>, vector<8x128xf32>, vector<2048x8xf32> -> vector<2048x8xf32>
    %add3A_187 = vector.broadcast %select_n3A : vector<1x8xf32> to vector<2048x8xf32>
    %add3A_188 = arith.addf %dot_general3A_186, %add3A_187 : vector<2048x8xf32>
    %reduce_max3A_189 = arith.constant dense<0xFF800000> : vector<2048xf32>
    %reduce_max3A_190 = vector.multi_reduction <maximumf>, %add3A_188, %reduce_max3A_189 [1] : vector<2048x8xf32> to vector<2048xf32>
    %max3A_191 = arith.constant 0xFF800000 : f32
    %max3A_192 = vector.broadcast %max3A_191 : f32 to vector<2048xf32>
    %max3A_193 = arith.maximumf %max3A_192, %reduce_max3A_190 : vector<2048xf32>
    %broadcast_in_dim3A_194 = vector.shape_cast %max3A_193 : vector<2048xf32> to vector<2048x1xf32>
    %sub3A_195 = vector.broadcast %broadcast_in_dim3A_194 : vector<2048x1xf32> to vector<2048x8xf32>
    %sub3A_196 = arith.subf %add3A_188, %sub3A_195 : vector<2048x8xf32>
    %exp3A_197 = math.exp %sub3A_196 : vector<2048x8xf32>
    %reduce_sum3A_198 = arith.constant dense<0.000000e+00> : vector<2048xf32>
    %reduce_sum3A_199 = vector.multi_reduction <add>, %exp3A_197, %reduce_sum3A_198 [1] : vector<2048x8xf32> to vector<2048xf32>
    %broadcast_in_dim3A_200 = vector.shape_cast %reduce_sum3A_199 : vector<2048xf32> to vector<2048x1xf32>
    %div3A_201 = vector.broadcast %broadcast_in_dim3A_200 : vector<2048x1xf32> to vector<2048x8xf32>
    %div3A_202 = arith.divf %exp3A_197, %div3A_201 : vector<2048x8xf32>
    %dot_general3A_203 = arith.constant dense<0.000000e+00> : vector<2048x128xf32>
    %dot_general3A_204 = tpu.matmul %div3A_202, %add3A_48, %dot_general3A_203 {dimension_numbers = #tpu.dot_dimension_numbers<[1], [0], [0], [1], [0, 0, 1, 1], [], []>, transpose_lhs_hint = false} : vector<2048x8xf32>, vector<8x128xf32>, vector<2048x128xf32> -> vector<2048x128xf32>
    %concatenate3A_205 = tpu.concatenate %add3A_184, %dot_general3A_204 in 1 : vector<2048x128xf32>, vector<2048x128xf32> -> vector<2048x256xf32>
    %get3A_206 = arith.constant 0 : index
    %get3A_207 = arith.constant 0 : index
    %get3A_208 = vector.load %arg12[%get3A_206, %get3A_207] : memref<1x1024xf32, #tpu.memory_space<vmem>>, vector<1x1024xf32>
    %add3A_209 = vector.broadcast %get3A_208 : vector<1x1024xf32> to vector<2048x1024xf32>
    %add3A_210 = arith.addf %add3A_66, %add3A_209 : vector<2048x1024xf32>
    %get3A_211 = arith.constant 0 : index
    %get3A_212 = arith.constant 0 : index
    %get3A_213 = vector.load %arg11[%get3A_211, %get3A_212] : memref<256x1024xf32, #tpu.memory_space<vmem>>, vector<256x1024xf32>
    %dot_general3A_214 = arith.constant dense<0.000000e+00> : vector<2048x1024xf32>
    %dot_general3A_215 = tpu.matmul %concatenate3A_205, %get3A_213, %dot_general3A_214 {dimension_numbers = #tpu.dot_dimension_numbers<[1], [0], [0], [1], [0, 0, 1, 1], [], []>, transpose_lhs_hint = false} : vector<2048x256xf32>, vector<256x1024xf32>, vector<2048x1024xf32> -> vector<2048x1024xf32>
    %add3A_216 = arith.addf %add3A_210, %dot_general3A_215 : vector<2048x1024xf32>
    %slice3A_217 = vector.extract_strided_slice %add3A_216 {offsets = [0, 0], sizes = [2048, 256], strides = [1, 1]} : vector<2048x1024xf32> to vector<2048x256xf32>
    %mul3A_218 = arith.constant 5.000000e-01 : f32
    %mul3A_219 = vector.broadcast %mul3A_218 : f32 to vector<2048x256xf32>
    %mul3A_220 = arith.mulf %mul3A_219, %slice3A_217 : vector<2048x256xf32>
    %tanh3A_221 = math.tanh %mul3A_220 : vector<2048x256xf32>
    %mul3A_222 = arith.constant 5.000000e-01 : f32
    %mul3A_223 = vector.broadcast %mul3A_222 : f32 to vector<2048x256xf32>
    %mul3A_224 = arith.mulf %mul3A_223, %tanh3A_221 : vector<2048x256xf32>
    %add3A_225 = arith.constant 5.000000e-01 : f32
    %add3A_226 = vector.broadcast %add3A_225 : f32 to vector<2048x256xf32>
    %add3A_227 = arith.addf %mul3A_224, %add3A_226 : vector<2048x256xf32>
    %slice3A_228 = vector.extract_strided_slice %add3A_216 {offsets = [0, 256], sizes = [2048, 256], strides = [1, 1]} : vector<2048x1024xf32> to vector<2048x256xf32>
    %mul3A_229 = arith.constant 5.000000e-01 : f32
    %mul3A_230 = vector.broadcast %mul3A_229 : f32 to vector<2048x256xf32>
    %mul3A_231 = arith.mulf %mul3A_230, %slice3A_228 : vector<2048x256xf32>
    %tanh3A_232 = math.tanh %mul3A_231 : vector<2048x256xf32>
    %mul3A_233 = arith.constant 5.000000e-01 : f32
    %mul3A_234 = vector.broadcast %mul3A_233 : f32 to vector<2048x256xf32>
    %mul3A_235 = arith.mulf %mul3A_234, %tanh3A_232 : vector<2048x256xf32>
    %add3A_236 = arith.constant 5.000000e-01 : f32
    %add3A_237 = vector.broadcast %add3A_236 : f32 to vector<2048x256xf32>
    %add3A_238 = arith.addf %mul3A_235, %add3A_237 : vector<2048x256xf32>
    %slice3A_239 = vector.extract_strided_slice %add3A_216 {offsets = [0, 512], sizes = [2048, 256], strides = [1, 1]} : vector<2048x1024xf32> to vector<2048x256xf32>
    %tanh3A_240 = math.tanh %slice3A_239 : vector<2048x256xf32>
    %slice3A_241 = vector.extract_strided_slice %add3A_216 {offsets = [0, 768], sizes = [2048, 256], strides = [1, 1]} : vector<2048x1024xf32> to vector<2048x256xf32>
    %mul3A_242 = arith.constant 5.000000e-01 : f32
    %mul3A_243 = vector.broadcast %mul3A_242 : f32 to vector<2048x256xf32>
    %mul3A_244 = arith.mulf %mul3A_243, %slice3A_241 : vector<2048x256xf32>
    %tanh3A_245 = math.tanh %mul3A_244 : vector<2048x256xf32>
    %mul3A_246 = arith.constant 5.000000e-01 : f32
    %mul3A_247 = vector.broadcast %mul3A_246 : f32 to vector<2048x256xf32>
    %mul3A_248 = arith.mulf %mul3A_247, %tanh3A_245 : vector<2048x256xf32>
    %add3A_249 = arith.constant 5.000000e-01 : f32
    %add3A_250 = vector.broadcast %add3A_249 : f32 to vector<2048x256xf32>
    %add3A_251 = arith.addf %mul3A_248, %add3A_250 : vector<2048x256xf32>
    %mul3A_252 = arith.mulf %add3A_238, %add3A_180 : vector<2048x256xf32>
    %mul3A_253 = arith.mulf %add3A_227, %tanh3A_240 : vector<2048x256xf32>
    %add3A_254 = arith.addf %mul3A_252, %mul3A_253 : vector<2048x256xf32>
    %tanh3A_255 = math.tanh %add3A_254 : vector<2048x256xf32>
    %mul3A_256 = arith.mulf %add3A_251, %tanh3A_255 : vector<2048x256xf32>
    %slice3A_257 = vector.extract_strided_slice %mul3A_256 {offsets = [0, 0], sizes = [2048, 128], strides = [1, 1]} : vector<2048x256xf32> to vector<2048x128xf32>
    %add3A_258 = arith.addf %get3A_56, %slice3A_257 : vector<2048x128xf32>
    %dot_general3A_259 = arith.constant dense<0.000000e+00> : vector<2048x8xf32>
    %dot_general3A_260 = tpu.matmul %add3A_258, %add3A_48, %dot_general3A_259 {dimension_numbers = #tpu.dot_dimension_numbers<[1], [1], [0], [0], [0, 0, 1, 0], [], []>, transpose_lhs_hint = false} : vector<2048x128xf32>, vector<8x128xf32>, vector<2048x8xf32> -> vector<2048x8xf32>
    %add3A_261 = vector.broadcast %select_n3A : vector<1x8xf32> to vector<2048x8xf32>
    %add3A_262 = arith.addf %dot_general3A_260, %add3A_261 : vector<2048x8xf32>
    %reduce_max3A_263 = arith.constant dense<0xFF800000> : vector<2048xf32>
    %reduce_max3A_264 = vector.multi_reduction <maximumf>, %add3A_262, %reduce_max3A_263 [1] : vector<2048x8xf32> to vector<2048xf32>
    %max3A_265 = arith.constant 0xFF800000 : f32
    %max3A_266 = vector.broadcast %max3A_265 : f32 to vector<2048xf32>
    %max3A_267 = arith.maximumf %max3A_266, %reduce_max3A_264 : vector<2048xf32>
    %broadcast_in_dim3A_268 = vector.shape_cast %max3A_267 : vector<2048xf32> to vector<2048x1xf32>
    %sub3A_269 = vector.broadcast %broadcast_in_dim3A_268 : vector<2048x1xf32> to vector<2048x8xf32>
    %sub3A_270 = arith.subf %add3A_262, %sub3A_269 : vector<2048x8xf32>
    %exp3A_271 = math.exp %sub3A_270 : vector<2048x8xf32>
    %reduce_sum3A_272 = arith.constant dense<0.000000e+00> : vector<2048xf32>
    %reduce_sum3A_273 = vector.multi_reduction <add>, %exp3A_271, %reduce_sum3A_272 [1] : vector<2048x8xf32> to vector<2048xf32>
    %broadcast_in_dim3A_274 = vector.shape_cast %reduce_sum3A_273 : vector<2048xf32> to vector<2048x1xf32>
    %div3A_275 = vector.broadcast %broadcast_in_dim3A_274 : vector<2048x1xf32> to vector<2048x8xf32>
    %div3A_276 = arith.divf %exp3A_271, %div3A_275 : vector<2048x8xf32>
    %dot_general3A_277 = arith.constant dense<0.000000e+00> : vector<2048x128xf32>
    %dot_general3A_278 = tpu.matmul %div3A_276, %add3A_48, %dot_general3A_277 {dimension_numbers = #tpu.dot_dimension_numbers<[1], [0], [0], [1], [0, 0, 1, 1], [], []>, transpose_lhs_hint = false} : vector<2048x8xf32>, vector<8x128xf32>, vector<2048x128xf32> -> vector<2048x128xf32>
    %concatenate3A_279 = tpu.concatenate %add3A_258, %dot_general3A_278 in 1 : vector<2048x128xf32>, vector<2048x128xf32> -> vector<2048x256xf32>
    %get3A_280 = arith.constant 0 : index
    %get3A_281 = arith.constant 0 : index
    %get3A_282 = vector.load %arg12[%get3A_280, %get3A_281] : memref<1x1024xf32, #tpu.memory_space<vmem>>, vector<1x1024xf32>
    %add3A_283 = vector.broadcast %get3A_282 : vector<1x1024xf32> to vector<2048x1024xf32>
    %add3A_284 = arith.addf %add3A_66, %add3A_283 : vector<2048x1024xf32>
    %get3A_285 = arith.constant 0 : index
    %get3A_286 = arith.constant 0 : index
    %get3A_287 = vector.load %arg11[%get3A_285, %get3A_286] : memref<256x1024xf32, #tpu.memory_space<vmem>>, vector<256x1024xf32>
    %dot_general3A_288 = arith.constant dense<0.000000e+00> : vector<2048x1024xf32>
    %dot_general3A_289 = tpu.matmul %concatenate3A_279, %get3A_287, %dot_general3A_288 {dimension_numbers = #tpu.dot_dimension_numbers<[1], [0], [0], [1], [0, 0, 1, 1], [], []>, transpose_lhs_hint = false} : vector<2048x256xf32>, vector<256x1024xf32>, vector<2048x1024xf32> -> vector<2048x1024xf32>
    %add3A_290 = arith.addf %add3A_284, %dot_general3A_289 : vector<2048x1024xf32>
    %slice3A_291 = vector.extract_strided_slice %add3A_290 {offsets = [0, 0], sizes = [2048, 256], strides = [1, 1]} : vector<2048x1024xf32> to vector<2048x256xf32>
    %mul3A_292 = arith.constant 5.000000e-01 : f32
    %mul3A_293 = vector.broadcast %mul3A_292 : f32 to vector<2048x256xf32>
    %mul3A_294 = arith.mulf %mul3A_293, %slice3A_291 : vector<2048x256xf32>
    %tanh3A_295 = math.tanh %mul3A_294 : vector<2048x256xf32>
    %mul3A_296 = arith.constant 5.000000e-01 : f32
    %mul3A_297 = vector.broadcast %mul3A_296 : f32 to vector<2048x256xf32>
    %mul3A_298 = arith.mulf %mul3A_297, %tanh3A_295 : vector<2048x256xf32>
    %add3A_299 = arith.constant 5.000000e-01 : f32
    %add3A_300 = vector.broadcast %add3A_299 : f32 to vector<2048x256xf32>
    %add3A_301 = arith.addf %mul3A_298, %add3A_300 : vector<2048x256xf32>
    %slice3A_302 = vector.extract_strided_slice %add3A_290 {offsets = [0, 256], sizes = [2048, 256], strides = [1, 1]} : vector<2048x1024xf32> to vector<2048x256xf32>
    %mul3A_303 = arith.constant 5.000000e-01 : f32
    %mul3A_304 = vector.broadcast %mul3A_303 : f32 to vector<2048x256xf32>
    %mul3A_305 = arith.mulf %mul3A_304, %slice3A_302 : vector<2048x256xf32>
    %tanh3A_306 = math.tanh %mul3A_305 : vector<2048x256xf32>
    %mul3A_307 = arith.constant 5.000000e-01 : f32
    %mul3A_308 = vector.broadcast %mul3A_307 : f32 to vector<2048x256xf32>
    %mul3A_309 = arith.mulf %mul3A_308, %tanh3A_306 : vector<2048x256xf32>
    %add3A_310 = arith.constant 5.000000e-01 : f32
    %add3A_311 = vector.broadcast %add3A_310 : f32 to vector<2048x256xf32>
    %add3A_312 = arith.addf %mul3A_309, %add3A_311 : vector<2048x256xf32>
    %slice3A_313 = vector.extract_strided_slice %add3A_290 {offsets = [0, 512], sizes = [2048, 256], strides = [1, 1]} : vector<2048x1024xf32> to vector<2048x256xf32>
    %tanh3A_314 = math.tanh %slice3A_313 : vector<2048x256xf32>
    %slice3A_315 = vector.extract_strided_slice %add3A_290 {offsets = [0, 768], sizes = [2048, 256], strides = [1, 1]} : vector<2048x1024xf32> to vector<2048x256xf32>
    %mul3A_316 = arith.constant 5.000000e-01 : f32
    %mul3A_317 = vector.broadcast %mul3A_316 : f32 to vector<2048x256xf32>
    %mul3A_318 = arith.mulf %mul3A_317, %slice3A_315 : vector<2048x256xf32>
    %tanh3A_319 = math.tanh %mul3A_318 : vector<2048x256xf32>
    %mul3A_320 = arith.constant 5.000000e-01 : f32
    %mul3A_321 = vector.broadcast %mul3A_320 : f32 to vector<2048x256xf32>
    %mul3A_322 = arith.mulf %mul3A_321, %tanh3A_319 : vector<2048x256xf32>
    %add3A_323 = arith.constant 5.000000e-01 : f32
    %add3A_324 = vector.broadcast %add3A_323 : f32 to vector<2048x256xf32>
    %add3A_325 = arith.addf %mul3A_322, %add3A_324 : vector<2048x256xf32>
    %mul3A_326 = arith.mulf %add3A_312, %add3A_254 : vector<2048x256xf32>
    %mul3A_327 = arith.mulf %add3A_301, %tanh3A_314 : vector<2048x256xf32>
    %add3A_328 = arith.addf %mul3A_326, %mul3A_327 : vector<2048x256xf32>
    %tanh3A_329 = math.tanh %add3A_328 : vector<2048x256xf32>
    %mul3A_330 = arith.mulf %add3A_325, %tanh3A_329 : vector<2048x256xf32>
    %slice3A_331 = vector.extract_strided_slice %mul3A_330 {offsets = [0, 0], sizes = [2048, 128], strides = [1, 1]} : vector<2048x256xf32> to vector<2048x128xf32>
    %add3A_332 = arith.addf %get3A_56, %slice3A_331 : vector<2048x128xf32>
    %dot_general3A_333 = arith.constant dense<0.000000e+00> : vector<2048x8xf32>
    %dot_general3A_334 = tpu.matmul %add3A_332, %add3A_48, %dot_general3A_333 {dimension_numbers = #tpu.dot_dimension_numbers<[1], [1], [0], [0], [0, 0, 1, 0], [], []>, transpose_lhs_hint = false} : vector<2048x128xf32>, vector<8x128xf32>, vector<2048x8xf32> -> vector<2048x8xf32>
    %swap3A = arith.constant 0 : index
    %swap3A_335 = arith.constant 0 : index
    %swap3A_336 = vector.load %arg13[%swap3A, %swap3A_335] : memref<2048x8xf32, #tpu.memory_space<vmem>>, vector<2048x8xf32>
    tpu.vector_store %arg13[%swap3A, %swap3A_335], %dot_general3A_334 {strides = array<i32>} : memref<2048x8xf32, #tpu.memory_space<vmem>>, vector<2048x8xf32>,
    return
  }
  func.func @transform_0(%arg0: i32) -> (i32, i32) {
    %c0_i32 = arith.constant 0 : i32
    %c0_i32_0 = arith.constant 0 : i32
    return %arg0, %c0_i32 : i32, i32
  }
  func.func @transform_1(%arg0: i32) -> (i32, i32) {
    %c0_i32 = arith.constant 0 : i32
    %c0_i32_0 = arith.constant 0 : i32
    %c0_i32_1 = arith.constant 0 : i32
    return %c0_i32, %c0_i32_0 : i32, i32
  }
  func.func @transform_2(%arg0: i32) -> (i32, i32) {
    %c0_i32 = arith.constant 0 : i32
    %c0_i32_0 = arith.constant 0 : i32
    %c0_i32_1 = arith.constant 0 : i32
    return %c0_i32, %c0_i32_0 : i32, i32
  }
  func.func @transform_3(%arg0: i32) -> (i32, i32) {
    %c0_i32 = arith.constant 0 : i32
    %c0_i32_0 = arith.constant 0 : i32
    %c0_i32_1 = arith.constant 0 : i32
    return %c0_i32, %c0_i32_0 : i32, i32
  }
  func.func @transform_4(%arg0: i32) -> (i32, i32) {
    %c0_i32 = arith.constant 0 : i32
    %c0_i32_0 = arith.constant 0 : i32
    %c0_i32_1 = arith.constant 0 : i32
    return %c0_i32, %c0_i32_0 : i32, i32
  }
  func.func @transform_5(%arg0: i32) -> (i32, i32) {
    %c0_i32 = arith.constant 0 : i32
    %c0_i32_0 = arith.constant 0 : i32
    %c0_i32_1 = arith.constant 0 : i32
    return %c0_i32, %c0_i32_0 : i32, i32
  }
  func.func @transform_6(%arg0: i32) -> (i32, i32) {
    %c0_i32 = arith.constant 0 : i32
    %c0_i32_0 = arith.constant 0 : i32
    %c0_i32_1 = arith.constant 0 : i32
    return %c0_i32, %c0_i32_0 : i32, i32
  }
  func.func @transform_7(%arg0: i32) -> (i32, i32) {
    %c0_i32 = arith.constant 0 : i32
    %c0_i32_0 = arith.constant 0 : i32
    %c0_i32_1 = arith.constant 0 : i32
    return %c0_i32, %c0_i32_0 : i32, i32
  }
  func.func @transform_8(%arg0: i32) -> (i32, i32) {
    %c0_i32 = arith.constant 0 : i32
    %c0_i32_0 = arith.constant 0 : i32
    %c0_i32_1 = arith.constant 0 : i32
    return %c0_i32, %c0_i32_0 : i32, i32
  }
  func.func @transform_9(%arg0: i32) -> (i32, i32) {
    %c0_i32 = arith.constant 0 : i32
    %c0_i32_0 = arith.constant 0 : i32
    %c0_i32_1 = arith.constant 0 : i32
    return %c0_i32, %c0_i32_0 : i32, i32
  }
  func.func @transform_10(%arg0: i32) -> (i32, i32) {
    %c0_i32 = arith.constant 0 : i32
    %c0_i32_0 = arith.constant 0 : i32
    %c0_i32_1 = arith.constant 0 : i32
    return %c0_i32, %c0_i32_0 : i32, i32
  }
  func.func @transform_11(%arg0: i32) -> (i32, i32) {
    %c0_i32 = arith.constant 0 : i32
    %c0_i32_0 = arith.constant 0 : i32
    %c0_i32_1 = arith.constant 0 : i32
    return %c0_i32, %c0_i32_0 : i32, i32
  }
  func.func @transform_12(%arg0: i32) -> (i32, i32) {
    %c0_i32 = arith.constant 0 : i32
    %c0_i32_0 = arith.constant 0 : i32
    return %arg0, %c0_i32 : i32, i32
  }
}

</mosaic_0001>

<sc_bundles>
// kernel: kernel.4.cloned.1.call-start
scs
__scs_entry_jumppad:
0x0: {  	(pc) =	sbr.rel $0x88, $3  }
0x1: {  	(tag) =	ssettag $0x0;
	lr =	simm.s32 $0x1  }
0x2: {  	[smem:$0x3F94] =	sst lr;
	_ =	strace $0xD0000000  }
0x3: {  	_ = 	snop  }
0x4: {  	_ = 	snop  }
0x5: {  	_ = 	snop  }
0x6: {  	_ = 	snop  }
0x7: {  	_ = 	snop  }
__scs_overlays_trampoline_lowered:
0x8: {  	[smem:$0x3FA3] =	sst s0  }
0x9: {  	[smem:$0x3FA4] =	sst s1  }
0xa: {  	[smem:$0x3FA5] =	sst s2  }
0xb: {  	[smem:$0x3FA6] =	sst s3  }
0xc: {  	[smem:$0x3FA7] =	sst s4  }
0xd: {  	[smem:$0x3FA8] =	sst s5  }
0xe: {  	[smem:$0x3FA9] =	sst s6  }
0xf: {  	[smem:$0x3FAA] =	sst s7  }
0x10: {  	[smem:$0x3FAB] =	sst s8  }
0x11: {  	[smem:$0x3FAC] =	sst s9;
	s0 =	simm.s32 @!p0 $0x0  }
0x12: {  	s1 =	sld [smem:$0x3F92];
	s0 =	simm.s32 @p0 $0x1  }
0x13: {  	[smem:$0x3FAD] =	sst s0;
	s0 =	simm.s32 @!p1 $0x0  }
0x14: {  	s2 =	sld [smem:$0x3F91];
	s0 =	simm.s32 @p1 $0x1  }
0x15: {  	[smem:$0x3FAE] =	sst s0;
	s0 =	simm.s32 @!p2 $0x0  }
0x16: {  	s3 =	sld [smem:$0x3FDB];
	s0 =	simm.s32 @p2 $0x1  }
0x17: {  	s4 =	simm.s32 $0x1BF5;
	[smem:$0x3FB0] =	sst s0  }
0x18: {  	s0 =	sld [smem:$0x3F93];
	_ =	swait.ge [sflag:s4], $0x0  }
0x19: {  	s7 =	sld [smem:$0x3F94]  }
0x1a: {  	s8 =	sadd.s32 $0xFFFFE003, lr  }
0x1b: {  	s9 =	sadd.s32 $0xFFFFFEF7, lr;
	s5 =	simm.s32 $0xFFFFFFFF;
	p2 =	slt.u32 s8, $0xFFFFF086  }
0x1c: {  	p1 =	slt.u32 s9, $0xF7A;
	s5 =	simm.s32 @!p2 $0x0  }
0x1d: {  	s5 =	simm.s32 @p1 $0x1;
	p0 =	seq.s32 s7, s2  }
0x1e: {  	s7 =	smul.u32 @!p0 $0xF7A, s2;
	p2 =	seq.s32 @!p0 s5, $0x0  }
0x1f: {  	s9 =	smul.u32 $0xF7A, s1;
	s8 =	simm.s32 @!p0 $0x1BF5;
	p2 =	por !p2, p0  }
0x20: {  	[sflag:s8] =	ssyncset.s32 @!p0 $0xFFFFF086;
	s6 =	sadd.s32 @!p0 s3, s7;
	s7 =	simm.s32 @!p0 $0x108  }
0x21: {  	s3 =	sadd.s32 s3, s9;
	s6 =	sadd.s32 @!p0 $0x88, s6;
	s7 =	simm.s32 @p2 $0x1082  }
0x22: {  	[simem:s7], [sflag:s8] =	dma.local @!p0 [hbm:s6], $0xF7A  }
0x23: {  	s9 =	sor.u32 $0xD0000000, s2;
	s6 =	simm.s32 $0x108;
	_ =	swait.ge @!p0 [sflag:s8], $0x0  }
0x24: {  	s3 =	sadd.s32 $0x88, s3;
	s6 =	simm.s32 @!p1 $0x1082;
	[sflag:s4] =	ssyncset.s32 $0xFFFFF086  }
0x25: {  	[simem:s6], [sflag:s4] =	dma.local [hbm:s3], $0xF7A  }
0x26: {  	[smem:$0x3F94] =	sst s1;
	(tag) =	ssettag s2;
	_ =	strace s9  }
0x27: {  	s1 =	sld [smem:$0x3FA4]  }
0x28: {  	s2 =	sld [smem:$0x3FA5]  }
0x29: {  	s4 =	sld [smem:$0x3FA7]  }
0x2a: {  	p0 =	seq.s32 s5, $0x0;
	s5 =	sld [smem:$0x3FA8]  }
0x2b: {  	s6 =	sld [smem:$0x3FA9]  }
0x2c: {  	s7 =	sld [smem:$0x3FAA]  }
0x2d: {  	s3 =	simm.s32 $0x108;
	s8 =	sld [smem:$0x3FAB]  }
0x2e: {  	s3 =	simm.s32 @!p0 $0x1082;
	s9 =	sld [smem:$0x3FAC]  }
0x2f: {  	lr =	sadd.s32 s0, s3;
	s0 =	sld [smem:$0x3FA3]  }
0x30: {  	s3 =	sld [smem:$0x3FA6]  }
0x31: {  	[smem:$0x3FAF] =	sst s10  }
0x32: {  	s10 =	sld [smem:$0x3FAD];
	_ =	sdelay $0x3  }
0x33: {  	p0 =	seq.s32 s10, $0x1;
	s10 =	sld [smem:$0x3FAF];
	_ =	sdelay $0x3  }
0x34: {  	[smem:$0x3FAF] =	sst s10  }
0x35: {  	s10 =	sld [smem:$0x3FAE];
	_ =	sdelay $0x3  }
0x36: {  	p1 =	seq.s32 s10, $0x1;
	s10 =	sld [smem:$0x3FAF];
	_ =	sdelay $0x3  }
0x37: {  	[smem:$0x3FAF] =	sst s10  }
0x38: {  	s10 =	sld [smem:$0x3FB0]  }
0x39: {  	_ = 	snop;
	(pc) =	sbr.ind lr, $3  }
0x3a: {  	_ = 	snop  }
0x3b: {  	_ = 	snop  }
0x3c: {  	p2 =	seq.s32 s10, $0x1;
	s10 =	sld [smem:$0x3FAF]  }
0x3d: {  	_ =	shalt  }
0x3e: {  	_ =	shalt  }
0x3f: {  	_ =	shalt  }
0x40: {  	_ =	shalt  }
0x41: {  	_ =	shalt  }
0x42: {  	_ =	shalt  }
0x43: {  	_ =	shalt  }
0x44: {  	_ =	shalt  }
0x45: {  	_ =	shalt  }
0x46: {  	_ =	shalt  }
0x47: {  	_ =	shalt  }
0x48: {  	_ =	shalt  }
0x49: {  	_ =	shalt  }
0x4a: {  	_ =	shalt  }
0x4b: {  	_ =	shalt  }
0x4c: {  	_ =	shalt  }
0x4d: {  	_ =	shalt  }
0x4e: {  	_ =	shalt  }
0x4f: {  	_ =	shalt  }
0x50: {  	_ =	shalt  }
0x51: {  	_ =	shalt  }
0x52: {  	_ =	shalt  }
0x53: {  	_ =	shalt  }
0x54: {  	_ =	shalt  }
0x55: {  	_ =	shalt  }
0x56: {  	_ =	shalt  }
0x57: {  	_ =	shalt  }
0x58: {  	_ =	shalt  }
0x59: {  	_ =	shalt  }
0x5a: {  	_ =	shalt  }
0x5b: {  	_ =	shalt  }
0x5c: {  	_ =	shalt  }
0x5d: {  	_ =	shalt  }
0x5e: {  	_ =	shalt  }
0x5f: {  	_ =	shalt  }
0x60: {  	_ =	shalt  }
0x61: {  	_ =	shalt  }
0x62: {  	_ =	shalt  }
0x63: {  	_ =	shalt  }
0x64: {  	_ =	shalt  }
0x65: {  	_ =	shalt  }
0x66: {  	_ =	shalt  }
0x67: {  	_ =	shalt  }
0x68: {  	_ =	shalt  }
0x69: {  	_ =	shalt  }
0x6a: {  	_ =	shalt  }
0x6b: {  	_ =	shalt  }
0x6c: {  	_ =	shalt  }
0x6d: {  	_ =	shalt  }
0x6e: {  	_ =	shalt  }
0x6f: {  	_ =	shalt  }
0x70: {  	_ =	shalt  }
0x71: {  	_ =	shalt  }
0x72: {  	_ =	shalt  }
0x73: {  	_ =	shalt  }
0x74: {  	_ =	shalt  }
0x75: {  	_ =	shalt  }
0x76: {  	_ =	shalt  }
0x77: {  	_ =	shalt  }
0x78: {  	_ =	shalt  }
0x79: {  	_ =	shalt  }
0x7a: {  	_ =	shalt  }
0x7b: {  	_ =	shalt  }
0x7c: {  	_ =	shalt  }
0x7d: {  	_ =	shalt  }
0x7e: {  	_ =	shalt  }
0x7f: {  	_ =	shalt  }
0x80: {  	_ =	shalt  }
0x81: {  	_ =	shalt  }
0x82: {  	_ =	shalt  }
0x83: {  	_ =	shalt  }
0x84: {  	_ =	shalt  }
0x85: {  	_ =	shalt  }
0x86: {  	_ =	shalt  }
0x87: {  	_ =	shalt  }
.Lfunc_end0:
.L_simem_size_0:
called_computation_lowered:
.L_overlay_start_0:
0x88: {  	s2 =	sld [smem:$0x3FD9]  }
0x89: {  	s3 =	sld [smem:$0x3FFE];
	_ =	sdelay $0x1  }
0x8a: {  	s1 =	srdreg.scid  }
0x8b: {  	s0 =	sand.u32 $0x1, s1  }
0x8c: {  	s17 =	sshll.u32 s0, $0xA;
	s2 =	sadd.s32 s3, s2  }
0x8d: {  	s2 =	sadd.s32 s2, s17  }
0x8e: {  	[smem:$0x3FBB] =	sst s2  }
0x8f: {  	_ = 	snop  }
0x90: {  	s2 =	sld [smem:$0x3FD0];
	(tm) =	ssettm $0x1  }
0x91: {  	s18 =	sld [smem:$0x3FFB];
	_ =	sdelay $0x3  }
0x92: {  	_ =	strace s18  }
0x93: {  	s3 =	sld [smem:$0x3FFC];
	_ =	sdelay $0x3  }
0x94: {  	_ =	strace s3  }
0x95: {  	s3 =	sld [smem:$0x3FFD];
	_ =	sdelay $0x3  }
0x96: {  	_ =	strace s3  }
0x97: {  	_ =	strace $0x8FFFFFFF  }
0x98: {  	s19 =	sld [smem:$0x3FDB];
	_ =	sdelay $0x1  }
0x99: {  	s4 =	simm.s32 $_scs_section_size  }
0x9a: {  	s5 =	simm.s32 $_size__tile_overlayer_lowered;
	s6 =	simm.s32 $_tile_overlayer_lowered  }
0x9b: {  	s22 =	simm.s32 $0x1BFF;
	s21 =	sshll.u32 s6, $0x1;
	s3 =	sadd.s32 s4, s19  }
0x9c: {  	s7 =	simm.s32 $0x0;
	s20 =	sshll.u32 s5, $0x1;
	s5 =	sadd.s32 s21, s3  }
0x9d: {  	[timem:s7], [sflag:s22] =	dma.local [hbm:s5], s20  }
0x9e: {  	_ =	swait.ge [sflag:s22], s20  }
0x9f: {  	s4 =	ssub.s32 $0x0, s20;
	[sflag:s22] =	ssyncset.done $0x0  }
0xa0: {  	[sflag:s22] =	ssyncadd.s32 s4;
	_ =	sdelay $0x1  }
0xa1: {  	s23 =	simm.s32 $0x1B8B  }
0xa2: {  	_ =	swait.ge [sflag:s23], $0x1  }
0xa3: {  	[sflag:s23] =	ssyncset.done $0x0  }
0xa4: {  	s25 =	simm.s32 $0x1B8E;
	s24 =	sld [smem:$0x3FFE];
	[sflag:s23] =	ssyncadd.s32 $0xFFFFFFFF  }
0xa5: {  	s26 =	simm.s32 $execute0_lowered;
	[smem:$0x3FD2] =	sst s25  }
0xa6: {  	s5 =	sshll.u32 s26, $0x1;
	_ =	strace $0x80000046;
	[dreg:$0x1] =	wrdreg $0xFFFFFFFF  }
0xa7: {  	s28 =	simm.s32 $_size_execute0_lowered;
	s3 =	sadd.s32 s3, s5;
	[dreg:$0x0] =	wrdreg $0x0  }
0xa8: {  	s5 =	sshll.u32 s28, $0x1;
	[dreg:$0x2] =	wrdreg s3  }
0xa9: {  	[dreg:$0x3] =	wrdreg s5  }
0xaa: {  	[dreg:$0x4] =	wrdreg $0xC0  }
0xab: {  	_ =	task [dreg:s7], $0x5FFFF  }
0xac: {  	[dreg:$0x1] =	wrdreg $0xFFFFFFFF  }
0xad: {  	[dreg:$0x0] =	wrdreg $0x60  }
0xae: {  	[dreg:$0x2] =	wrdreg s2  }
0xaf: {  	[dreg:$0x3] =	wrdreg s24  }
0xb0: {  	[dreg:$0x4] =	wrdreg $0x9  }
0xb1: {  	_ =	task.clear_ibuf [dreg:s7], $0x5FFFF;
	_ =	strace $0x90000046  }
0xb2: {  	s29 =	simm.s32 $0x9;
	_ =	strace $0x80000048  }
0xb3: {  	_ =	swait.ge [sflag:s29], $0x1  }
0xb4: {  	[sflag:s29] =	ssyncadd.s32 $0xFFFFFFFF  }
0xb5: {  	_ =	strace $0x90000048  }
0xb6: {  	_ =	sfence  }
0xb7: {  	s30 =	sld [smem:$0x0];
	_ =	sdelay $0x2  }
0xb8: {  	s31 =	sshll.u32 s1, $0xD;
	s1 =	sshrl.u32 s1, $0x2  }
0xb9: {  	s3 =	sand.u32 $0x4000, s31;
	s1 =	sadd.s32 s1, s30  }
0xba: {  	s0 =	sor.u32 s3, s0;
	s1 =	sshll.u32 s1, $0x11  }
0xbb: {  	s0 =	sor.u32 s1, s0  }
0xbc: {  	s0 =	sadd.s32 $0x8F2B, s0  }
0xbd: {  	[sflag:s0] =	ssyncadd.remote.s32 $0x1  }
0xbe: {  	_ =	sfence.sel $0xFFFF  }
0xbf: {  	[dreg:$0x0] =	wrdreg $0xFFFFFFFF;
	(pc) =	sbr.abs _section_cstart, $3  }
0xc0: {  	[dreg:$0x1] =	wrdreg $0xFFFFFFFF  }
0xc1: {  	_ =	task.clear_ibuf [dreg:s7], $0x2FFFF;
	_ =	strace $0x9FFFFFFF  }
0xc2: {  	(tm) =	ssettm $0x7FFFFFFF  }
0xc3: {  	_ =	shalt  }
tec
execute0_lowered:
.L_overlay_start_1:
0x0: {  	(tag) =	ssettag $0x1  }
0x1: {  	s6 =	rddreg [dreg:$0x0]  }
0x2: {  	s5 =	rddreg [dreg:$0x1]  }
0x3: {  	s0 =	rddreg [dreg:$0x2]  }
0x4: {  	s2 =	simm.s32 $0x0;
	s3 =	srdreg.scid;
	s1 =	stileid.u32  }
0x5: {  	s12 =	simm.s32 $0x1400;
	s13 =	simm.s32 $0x1;
	s14 =	simm.s32 $0x0  }
0x6: {  	[smem:$0x7FF] =	sst s2;
	s7 =	sand.u32 $0x1, s3;
	s4 =	sshll.u32 s1, $0x1  }
0x7: {  	s3 =	sadd.s32 $0x2200, s5;
	_ =	strace $0x80000047;
	s10 =	sor.u32 s7, s4  }
0x8: {  	s4 =	sadd.s32 $0xF44800, s5;
	s7 =	ssub.s32 $0x2, s7;
	s8 =	sshll.u32 s10, $0xD  }
0x9: {  	s9 =	sshrl.u32 s7, $0x1;
	s11 =	sshll.u32 s10, $0x9;
	p0 =	sne.s32 s10, $0x0  }
0xa: {  	v1 =	vlaneseq.u32;
	s10 =	simm.s32 $0x400;
	s8 =	sadd.s32 s8, s5;
	s5 =	sadd.s32 $0x2400, s5  }
0xb: {  	v0 =	vmul.u32 $0x4, v1;
	s9 =	ssub.s32 s7, s9;
	s6 =	sadd.s32 s6, s11;
	s11 =	simm.s32 $0x1000  }
0xc: {  	v1 =	vand.u32 $0x1, v1;
	vm0 =	vcmask @!p0 $0x1F10;
	vm1 =	vmmov @!p0 $0x3ff;
	s7 =	sadd.s32 $0x2600, s8;
	s8 =	smax.u32 s9, $0x1;
	s9 =	simm.s32 $0x3  }
.LBB2_1:
0xd: {  	v2 =	vmov s2  }
0xe: {  	v2 =	vshll.u32 v2, $0x2  }
0xf: {  	v2 =	vor.u32 v0, v2  }
0x10: {  	v2 =	vand.u32 $0xFF8, v2  }
0x11: {  	s15 =	simm.s32 $0x10;
	v2 =	vor.u32 v1, v2  }
0x12: {  	[tilespmem:s2], [sflag:$0x3] =	stream.linear.gather [hbm4b:s6+s2], $0x1000, $0x38;
	[tilespmem:$0x11838] =	vst v63  }
0x13: {  	v3 =	vmov s15;
	_ =	swait.ge [sflag:s9], $0x1000  }
0x14: {  	v3 =	vshll.u32 v3, $0x2;
	[sflag:s9] =	ssyncset.done $0x0  }
0x15: {  	v3 =	vor.u32 v0, v3;
	[sflag:s9] =	ssyncadd.s32 $0xFFFFF000  }
0x16: {  	v3 =	vand.u32 $0xFF8, v3;
	v2 =	vld.idx.msk [tilespmem:v2+s2+$0x0], $0xffff  }
0x17: {  	v3 =	vor.u32 v1, v3;
	_ =	sdelay $0x1  }
0x18: {  	s31 =	simm.s32 $0x20  }
0x19: {  	s16 =	simm.s32 $0x30;
	v4 =	vmov s31;
	s15 =	simm.s32 $0x1000  }
.LBB2_2:
0x1a: {  	p1 =	sne.s32 s16, $0x3F0;
	v4 =	vshll.u32 v4, $0x2;
	[tilespmem:s15+$0x0] =	vst v2  }
0x1b: {  	v4 =	vor.u32 v0, v4;
	v2 =	vld.idx.msk [tilespmem:v3+s2+$0x0], $0xffff  }
.Ltmp0:
0x1c: {  	v3 =	vand.u32 $0xFF8, v4;
	(pc) =	sbr.rel @p1 .LBB2_2-.Ltmp0, $2  }
0x1d: {  	v3 =	vor.u32 v1, v3;
	_ =	sdelay $0x2  }
0x1e: {  	s15 =	sadd.s32 $0x10, s15;
	v4 =	vmov s16;
	s16 =	sadd.s32 $0x10, s16  }
0x1f: {  	_ =	sdelay $0x1  }
0x20: {  	v4 =	vshll.u32 v4, $0x2  }
0x21: {  	[tilespmem:s15+$0x0] =	vst v2;
	v2 =	vor.u32 v0, v4  }
0x22: {  	v3 =	vld.idx.msk [tilespmem:v3+s2+$0x0], $0xffff;
	v2 =	vand.u32 $0xFF8, v2  }
0x23: {  	v2 =	vor.u32 v1, v2;
	_ =	sdelay $0x2  }
0x24: {  	s31 =	sadd.s32 $0x10, s15  }
0x25: {  	[tilespmem:s31+$0x0] =	vst v3  }
0x26: {  	v2 =	vld.idx.msk [tilespmem:v2+s2+$0x0], $0xffff;
	_ =	sdelay $0x2  }
0x27: {  	v4 =	vimm.s32 @!p0 $0x19181110;
	v3 =	vimm.s32 @!p0 $0x9080100  }
0x28: {  	v5 =	vimm.s32 @!p0 $0x21202120;
	s15 =	sadd.s32 $0x10, s31;
	v4 =	vunpack.c.0.s8.s32 @!p0 v4;
	v3 =	vunpack.c.0.s8.s32 @!p0 v3  }
0x29: {  	[tilespmem:s15+$0x0] =	vst v2;
	v2 =	vunpack.c.0.s8.s32 @!p0 v5  }
0x2a: {  	v3 =	vsel @!p0 vm0, v4, v3  }
0x2b: {  	[tilespmem:s12], [sflag:$0x1] =	stream.indirect.gather [hbm4b:s4+s10], $0x40, s11, s10, $0xb8;
	v2 =	vcombine.low @!p0 v3, v2;
	[tilespmem:$0x11838] =	vst v63  }
0x2c: {  	s16 =	simm.s32 @!p0 $0x11400;
	s17 =	simm.s32 @!p0 $0x3;
	s15 =	simm.s32 @!p0 $0x0  }
0x2d: {  	[tilespmem:s16], [sflag:$0x3] =	stream.linear.gather @!p0 [hbm4b:s3+s15], $0x28, $0x38;
	[tilespmem:$0x11838] =	vst v63  }
0x2e: {  	_ =	swait.ge @!p0 [sflag:s17], $0x28  }
0x2f: {  	[sflag:s17] =	ssyncset.done @!p0 $0x0  }
0x30: {  	[sflag:s17] =	ssyncadd.s32 @!p0 $0xFFFFFFD8  }
0x31: {  	v2 =	vld.idx.msk @!p0 [tilespmem:v2+s16+$0x0], $0xffff;
	_ =	sdelay $0x4  }
0x32: {  	v2 =	vnsel @!p0 vm1, $0x0, v2  }
0x33: {  	s18 =	simm.s32 @!p0 $0x11428;
	s19 =	simm.s32 @!p0 $0x11438;
	s16 =	simm.s32 @!p0 $0x10;
	[tilespmem:$0x11428] =	vst @!p0 v2  }
0x34: {  	[tilespmem:s19], [sflag:$0x2] =	stream.indirect.gather @!p0 [hbm4b:s4+s16], $0x40, s18, s16, $0xb8;
	[tilespmem:$0x11838] =	vst v63  }
0x35: {  	s16 =	simm.s32 @!p0 $0x2  }
0x36: {  	_ =	swait.ge @!p0 [sflag:s16], $0x400  }
0x37: {  	[sflag:s16] =	ssyncset.done @!p0 $0x0  }
0x38: {  	[sflag:s16] =	ssyncadd.s32 @!p0 $0xFFFFFC00  }
0x39: {  	[hbm4b:s5+s15] =	stream.linear.scatter @!p0 [tilespmem:s19], [sflag:$0x3], $0x400, $0x38;
	[tilespmem:$0x11838] =	vst v63  }
0x3a: {  	_ =	swait.ge @!p0 [sflag:s17], $0x400  }
0x3b: {  	[sflag:s17] =	ssyncset.done @!p0 $0x0  }
0x3c: {  	[sflag:s17] =	ssyncadd.s32 @!p0 $0xFFFFFC00  }
0x3d: {  	s14 =	sadd.s32 $0x1, s14;
	_ =	swait.ge [sflag:s13], $0x10000  }
0x3e: {  	p1 =	sne.s32 s14, s8;
	[sflag:s13] =	ssyncset.done $0x0  }
.Ltmp1:
0x3f: {  	[sflag:s13] =	ssyncadd.s32 $0xFFFF0000;
	(pc) =	sbr.rel @p1 .LBB2_1-.Ltmp1, $4  }
0x40: {  	[hbm4b:s7+s2] =	stream.linear.scatter [tilespmem:s12], [sflag:$0x3], $0x10000, $0x38;
	[tilespmem:$0x11838] =	vst v63  }
0x41: {  	_ =	swait.ge [sflag:s9], $0x10000  }
0x42: {  	[sflag:s9] =	ssyncset.done $0x0  }
0x43: {  	[sflag:s9] =	ssyncadd.s32 $0xFFFF0000  }
0x44: {  	_ =	sfence.sel $0x180000  }
0x45: {  	[bflag:$0x0] =	sbarrier.arrive $0xFFFF  }
0x46: {  	p0 =	sne.s32 s1, $0x0;
	_ =	strace $0x90000047  }
0x47: {  	s0 =	sadd.s32 @!p0 $0x100000, s0;
	[bflag:$0x2] =	sbarrier.arrive $0xFFFF  }
0x48: {  	[sflag:s0] =	ssyncadd.tile.s32 @!p0 $0x1;
	_ =	shalt  }
.Lfunc_end2:
_tile_overlayer_lowered:
.L_overlay_start_2:
0x49: {  	(tag) =	ssettag $0x2  }
0x4a: {  	s0 =	rddreg [dreg:$0x0];
	s2 =	stileid.u32  }
0x4b: {  	s1 =	rddreg [dreg:$0x1];
	p0 =	sne.s32 s2, $0x0  }
0x4c: {  	s3 =	rddreg [dreg:$0x2];
	[bflag:$0x3] =	sbarrier.arrive $0xFFFF;
	s2 =	simm.s32 @!p0 $0x1C03  }
0x4d: {  	[timem:s3], [sflag:s2] =	dma.local @!p0 [hbm:s0], s1  }
0x4e: {  	s0 =	simm.s32 @!p0 $0x3  }
0x4f: {  	_ =	swait.ge @!p0 [sflag:s0], s1  }
0x50: {  	s1 =	ssub.s32 @!p0 $0x0, s1;
	[sflag:s0] =	ssyncset.done @!p0 $0x0  }
0x51: {  	[sflag:s0] =	ssyncadd.s32 @!p0 s1  }
0x52: {  	[bflag:$0x3] =	sbarrier.arrive $0xFFFF  }
0x53: {  	_ =	shalt  }

</sc_bundles>
